<compile_context>
chip_gen: v7x
topology: tpu7x:2x2x1
jax: 0.10.2.dev20260603
libtpu: 0.0.44.dev20260713+nightly
codegen_flags: <defaults>
</compile_context>

<pallas_src>
import functools

import jax
import jax.numpy as jnp
from jax import lax
from jax.experimental import pallas as pl
from jax.experimental.pallas import tpu as pltpu
from jax.experimental.pallas import tpu_sc as plsc

NO, DIM, K0, N_TRAIN, OUT_F, K_SEL = 8192, 64, 51, 100000, 16, 50

_NC, _NS = 2, 16
_NW = _NC * _NS
_N_IDX = NO * K0
_CHUNK = _N_IDX // _NW
_SUB = 1632
_NSUB = _CHUNK // _SUB

_BR = 128
_NCOL = 8


def _sc_gather_body(tab_hbm, idx_hbm, out_hbm, idx_v, buf_v, sem):
    wid = lax.axis_index("s") * _NC + lax.axis_index("c")
    base = wid * _CHUNK
    pltpu.sync_copy(idx_hbm.at[pl.ds(base, _CHUNK)], idx_v)
    for k in range(_NSUB):
        pltpu.async_copy(tab_hbm.at[idx_v.at[pl.ds(k * _SUB, _SUB)]], buf_v,
                         sem).wait()
        pltpu.sync_copy(buf_v, out_hbm.at[pl.ds(base + k * _SUB, _SUB)])


@functools.cache
def _make_sc_gather():
    return functools.partial(
        pl.kernel,
        out_type=jax.ShapeDtypeStruct((_N_IDX, DIM), jnp.float32),
        mesh=plsc.VectorSubcoreMesh(core_axis_name="c", subcore_axis_name="s"),
        scratch_types=[
            pltpu.VMEM((_CHUNK,), jnp.int32),
            pltpu.VMEM((_SUB, DIM), jnp.float32),
            pltpu.SemaphoreType.DMA,
        ],
        compiler_params=pltpu.CompilerParams(use_tc_tiling_on_sc=False),
    )(_sc_gather_body)


def _sel_body(x_ref, dmb_ref, w_ref, a_ref, c_ref, dmcf_ref, nd_ref, ni_ref,
              cs_ref, nds_ref, nis_ref, nidrop_ref, acc_ref):
    C = c_ref[...]
    dmcf = dmcf_ref[...]
    br = C.shape[0]
    n = br * K0
    wb = w_ref[...].astype(jnp.bfloat16)
    ab = lax.broadcast_in_dim(a_ref[...], (2 * OUT_F, _NCOL),
                              (0, 1)).astype(jnp.bfloat16)
    xc = jnp.concatenate([x_ref[...], dmb_ref[...]],
                         axis=1).astype(jnp.bfloat16)
    wx = lax.dot_general(xc, wb, (((1,), (0,)), ((), ())),
                         preferred_element_type=jnp.float32)
    cmf = jnp.concatenate([C.astype(jnp.bfloat16).reshape(n, DIM),
                           dmcf.astype(jnp.bfloat16)], axis=1)
    wc = lax.dot_general(cmf, wb, (((1,), (0,)), ((), ())),
                         preferred_element_type=jnp.float32)
    wxr = lax.broadcast_in_dim(wx, (br, K0, OUT_F),
                               (0, 2)).reshape(n, OUT_F)
    inp = jnp.concatenate([wxr, wc], axis=1).astype(jnp.bfloat16)
    e = lax.dot_general(inp, ab, (((1,), (0,)), ((), ())),
                        preferred_element_type=jnp.float32)
    s3 = e.reshape(br, K0, _NCOL)
    mn = jnp.min(s3, axis=1, keepdims=True)
    jj = lax.broadcasted_iota(jnp.int32, s3.shape, 1)
    dropc = jnp.max(jnp.where(s3 == mn, jj, -1), axis=1)
    drop2 = dropc[:, :1]

    j50 = lax.broadcasted_iota(jnp.int32, (br, K_SEL), 1)
    keep_lo = j50 < lax.broadcast_in_dim(drop2, (br, K_SEL), (0, 1))
    j3 = lax.broadcasted_iota(jnp.int32, (br, K_SEL, DIM), 1)
    keep3 = j3 < lax.broadcast_in_dim(drop2, (br, K_SEL, DIM), (0, 1))
    cs_ref[...] = jnp.where(keep3, C[:, :K_SEL, :], C[:, 1:, :])
    nd = nd_ref[...]
    nds_ref[...] = jnp.where(keep_lo, nd[:, :K_SEL], nd[:, 1:])
    ni = ni_ref[...]
    nis_ref[...] = jnp.where(keep_lo, ni[:, :K_SEL], ni[:, 1:])

    jj2 = lax.broadcasted_iota(jnp.int32, (br, K0), 1)
    dropb2 = lax.broadcast_in_dim(drop2, (br, K0), (0, 1))
    nidrop_ref[...] = jnp.sum(jnp.where(jj2 == dropb2, ni, 0), axis=1,
                              keepdims=True)
    rall = jnp.sum(dmcf)

    @pl.when(pl.program_id(0) == 0)
    def _():
        acc_ref[...] = jnp.zeros((1, 2), jnp.float32)

    lane2 = lax.broadcasted_iota(jnp.int32, (1, 2), 1)
    acc_ref[...] += jnp.where(lane2 == 0, rall, 0.0)


def _select(X, dmb, W, a, Candidate, dmc_flat, neigh_dist, neigh_ind):
    grid = NO // _BR
    return pl.pallas_call(
        _sel_body,
        grid=(grid,),
        in_specs=[
            pl.BlockSpec((_BR, DIM), lambda i: (i, 0)),
            pl.BlockSpec((_BR, DIM), lambda i: (i, 0)),
            pl.BlockSpec((2 * DIM, OUT_F), lambda i: (0, 0)),
            pl.BlockSpec((2 * OUT_F, 1), lambda i: (0, 0)),
            pl.BlockSpec((_BR, K0, DIM), lambda i: (i, 0, 0)),
            pl.BlockSpec((_BR * K0, DIM), lambda i: (i, 0)),
            pl.BlockSpec((_BR, K0), lambda i: (i, 0)),
            pl.BlockSpec((_BR, K0), lambda i: (i, 0)),
        ],
        out_specs=[
            pl.BlockSpec((_BR, K_SEL, DIM), lambda i: (i, 0, 0)),
            pl.BlockSpec((_BR, K_SEL), lambda i: (i, 0)),
            pl.BlockSpec((_BR, K_SEL), lambda i: (i, 0)),
            pl.BlockSpec((_BR, 1), lambda i: (i, 0)),
            pl.BlockSpec((1, 2), lambda i: (0, 0)),
        ],
        out_shape=[
            jax.ShapeDtypeStruct((NO, K_SEL, DIM), jnp.float32),
            jax.ShapeDtypeStruct((NO, K_SEL), jnp.float32),
            jax.ShapeDtypeStruct((NO, K_SEL), jnp.int32),
            jax.ShapeDtypeStruct((NO, 1), jnp.int32),
            jax.ShapeDtypeStruct((1, 2), jnp.float32),
        ],
    )(X, dmb, W, a, Candidate, dmc_flat, neigh_dist, neigh_ind)


_CHUNK_B = NO // _NW


def _sc_gather_b_body(tab_hbm, idx_hbm, out_hbm, idx_v, buf_v, sem):
    wid = lax.axis_index("s") * _NC + lax.axis_index("c")
    base = wid * _CHUNK_B
    pltpu.sync_copy(idx_hbm.at[pl.ds(base, _CHUNK_B)], idx_v)
    pltpu.async_copy(tab_hbm.at[idx_v], buf_v, sem).wait()
    pltpu.sync_copy(buf_v, out_hbm.at[pl.ds(base, _CHUNK_B)])


@functools.cache
def _make_sc_gather_b():
    return functools.partial(
        pl.kernel,
        out_type=jax.ShapeDtypeStruct((NO, DIM), jnp.float32),
        mesh=plsc.VectorSubcoreMesh(core_axis_name="c", subcore_axis_name="s"),
        scratch_types=[
            pltpu.VMEM((_CHUNK_B,), jnp.int32),
            pltpu.VMEM((_CHUNK_B, DIM), jnp.float32),
            pltpu.SemaphoreType.DMA,
        ],
        compiler_params=pltpu.CompilerParams(use_tc_tiling_on_sc=False),
    )(_sc_gather_b_body)


def _bsum_body(rows_ref, out_ref):
    @pl.when(pl.program_id(0) == 0)
    def _():
        out_ref[...] = jnp.zeros((1, 1), jnp.float32)

    out_ref[...] += jnp.sum(rows_ref[...])


def _bsum(rows):
    bt = 1024
    return pl.pallas_call(
        _bsum_body,
        grid=(NO // bt,),
        in_specs=[pl.BlockSpec((bt, DIM), lambda i: (i, 0))],
        out_specs=pl.BlockSpec((1, 1), lambda i: (0, 0)),
        out_shape=jax.ShapeDtypeStruct((1, 1), jnp.float32),
    )(rows)


def kernel(X, Candidate, neigh_dist, neigh_ind, data_m_train, data_m_batch,
           test, W, a):
    del test
    idx_flat = neigh_ind.reshape(_N_IDX).astype(jnp.int32)
    dmc_flat = _make_sc_gather()(data_m_train, idx_flat)
    cs, nds, nis, nidrop, acc = _select(X, data_m_batch, W, a, Candidate,
                                        dmc_flat, neigh_dist, neigh_ind)
    drows = _make_sc_gather_b()(data_m_train, nidrop.reshape(NO))
    b_sum = _bsum(drows)[0, 0]
    a_out = (acc[0, 0] - b_sum) / jnp.float32(NO * K_SEL)
    b_out = b_sum / jnp.float32(NO)
    return cs, nds, nis, a_out, b_out

# --- scband reference (transcript-rebuilt; emitter-appended) ---
"""Pipeline reference for scband-attention-layer-77524159693050 (READ-ONLY COPY).

The authoritative reference and input builder live on the scoring server;
editing this copy changes nothing except your own understanding.
"""

import jax, jax.numpy as jnp
import numpy as np

NO, DIM, K0, N_TRAIN, OUT_F, K_NEIGH = 8192, 64, 51, 100000, 16, 50

def setup_inputs(seed: int = 0):
    key = jax.random.key(seed)
    ks = jax.random.split(key, 8)
    X = jax.random.normal(ks[0], (NO, DIM), dtype=jnp.float32)
    Candidate = jax.random.normal(ks[1], (NO, K0, DIM), dtype=jnp.float32)
    neigh_dist = jax.random.uniform(ks[2], (NO, K0), dtype=jnp.float32)
    neigh_ind = jax.random.randint(ks[3], (NO, K0), 0, N_TRAIN)
    data_m_train = jax.random.uniform(ks[4], (N_TRAIN, DIM), dtype=jnp.float32)
    data_m_batch = jax.random.uniform(ks[5], (NO, DIM), dtype=jnp.float32)
    # xavier-uniform-ish learned params
    lim_W = float(np.sqrt(6.0 / (2 * DIM + OUT_F)))
    lim_a = float(np.sqrt(6.0 / (2 * OUT_F + 1)))
    W = jax.random.uniform(ks[6], (2 * DIM, OUT_F), dtype=jnp.float32, minval=-lim_W, maxval=lim_W)
    a = jax.random.uniform(ks[7], (2 * OUT_F, 1), dtype=jnp.float32, minval=-lim_a, maxval=lim_a)
    return {"X": X, "Candidate": Candidate, "neigh_dist": neigh_dist, "neigh_ind": neigh_ind,
            "data_m_train": data_m_train, "data_m_batch": data_m_batch, "test": 0, "W": W, "a": a}

def reference(X, Candidate, neigh_dist, neigh_ind, data_m_train, data_m_batch, test, W, a):
    no, dim = X.shape
    out_features = W.shape[1]
    k = K_NEIGH
    # gather candidate mask rows from the training mask table
    data_m_candidate = jnp.take(data_m_train, neigh_ind, axis=0)          # [no, K0, dim]
    Xc = jnp.concatenate([X, data_m_batch], axis=1)                        # [no, 2*dim]
    Candidate_m = jnp.concatenate([Candidate, data_m_candidate], axis=2)   # [no, K0, 2*dim]
    WX = Xc @ W                                                            # [no, out_f]
    WC = Candidate_m @ W                                                   # [no, K0, out_f]
    # _prepare_attentional_mechanism_input
    WXr = jnp.broadcast_to(WX[:, None, :], (no, WC.shape[1], out_features))
    inp = jnp.concatenate([WXr, WC], axis=2)                               # [no, K0, 2*out_f]
    e = (inp @ a[: 2 * out_features, :])[:, :, 0]                          # [no, K0]
    _, index = jax.lax.top_k(e, k)                                         # [no, k]
    rows = jnp.arange(no)[:, None]
    indicator = jnp.zeros_like(e).at[rows, index].set(1.0)
    # torch boolean-mask selection preserves ascending position order
    sorted_idx = jnp.sort(index, axis=1)                                   # [no, k]
    leftover_idx = jnp.argmax(1.0 - indicator, axis=1)                     # [no] (exactly one 0 per row)
    Candidate_sel = jnp.take_along_axis(Candidate, sorted_idx[:, :, None], axis=1)       # [no, k, dim]
    dmc0 = jnp.take_along_axis(data_m_candidate, sorted_idx[:, :, None], axis=1)         # [no, k, dim]
    dmc1 = data_m_candidate[jnp.arange(no), leftover_idx]                                # [no, dim]
    a_out = jnp.sum(dmc0) / (no * k)
    b_out = jnp.sum(dmc1) / no
    neigh_dist_sel = jnp.take_along_axis(neigh_dist, sorted_idx, axis=1)
    neigh_ind_sel = jnp.take_along_axis(neigh_ind, sorted_idx, axis=1)
    return (Candidate_sel, neigh_dist_sel, neigh_ind_sel, a_out, b_out)

if __name__ == "__main__":
    import jax
    _d = setup_inputs()
    print(jax.jit(kernel)(*tuple(_d.values())))

</pallas_src>

<mosaic_0001>
#map = affine_map<(d0, d1) -> (0, 0)>
#map1 = affine_map<(d0, d1) -> (0)>
module attributes {stable_mosaic.version = 14 : i64} {
  func.func @_sc_gather_b_body(%arg0: i32, %arg1: i32, %arg2: memref<100000x64xf32, #tpu.memory_space<hbm>>, %arg3: memref<8192xi32, #tpu.memory_space<hbm>>, %arg4: memref<8192x64xf32, #tpu.memory_space<hbm>>, %arg5: memref<256xi32, #tpu.memory_space<vmem>>, %arg6: memref<256x64xf32, #tpu.memory_space<vmem>>, %arg7: memref<!tpu.dma_semaphore, #tpu.memory_space<semaphore_mem>>) attributes {dimension_semantics = [#tpu.dimension_semantics<core_parallel>, #tpu.dimension_semantics<subcore_parallel>], iteration_bounds = array<i64: 2, 16>, scalar_prefetch = 0 : i64, scratch_operands = 3 : i64, tpu.core_type = #tpu.core_type<sc_vector_subcore>, window_params = [{transform_indices = #map}, {transform_indices = #map1}, {transform_indices = #map}]} {
    %mul3A = arith.constant 2 : i32
    %mul3A_0 = arith.muli %arg1, %mul3A : i32
    %add3A = arith.addi %mul3A_0, %arg0 : i32
    %mul3A_1 = arith.constant 256 : i32
    %mul3A_2 = arith.muli %add3A, %mul3A_1 : i32
    "tpu.region"() ({
      %run_scoped3A = tpu.sem_alloc : memref<!tpu.dma_semaphore, #tpu.memory_space<semaphore_mem>>
      %dma_start3A_7 = tpu.memref_slice %arg3[%mul3A_2] : memref<8192xi32, #tpu.memory_space<hbm>> -> memref<256xi32, #tpu.memory_space<hbm>>
      %dma_start3A_8 = tpu.memref_slice %arg3[%mul3A_2] : memref<8192xi32, #tpu.memory_space<hbm>> -> memref<256xi32, #tpu.memory_space<hbm>>
      tpu.enqueue_dma source(%dma_start3A_8 : memref<256xi32, #tpu.memory_space<hbm>>) target(%arg5 : memref<256xi32, #tpu.memory_space<vmem>>) target_semaphore(%run_scoped3A : memref<!tpu.dma_semaphore, #tpu.memory_space<semaphore_mem>>)
      %dma_wait3A_9 = tpu.memref_slice %arg3[%mul3A_2] : memref<8192xi32, #tpu.memory_space<hbm>> -> memref<256xi32, #tpu.memory_space<hbm>>
      %dma_wait3A_10 = tpu.memref_slice %arg3[%mul3A_2] : memref<8192xi32, #tpu.memory_space<hbm>> -> memref<256xi32, #tpu.memory_space<hbm>>
      tpu.wait_dma2 semaphore(%run_scoped3A : memref<!tpu.dma_semaphore, #tpu.memory_space<semaphore_mem>>) src(%dma_wait3A_10 : memref<256xi32, #tpu.memory_space<hbm>>) dst(%arg5 : memref<256xi32, #tpu.memory_space<vmem>>)
      tpu.yield
    }) : () -> ()
    %dma_start3A = arith.constant 0 : i32
    %dma_start3A_3 = arith.constant 0 : i32
    %dma_start3A_4 = tpu.memref_slice %arg2[%dma_start3A, %dma_start3A_3] : memref<100000x64xf32, #tpu.memory_space<hbm>> -> memref<100000x64xf32, #tpu.memory_space<hbm>>
    tpu.enqueue_indirect_dma source(%dma_start3A_4 : memref<100000x64xf32, #tpu.memory_space<hbm>>) target(%arg6 : memref<256x64xf32, #tpu.memory_space<vmem>>) offsets(%arg5 : memref<256xi32, #tpu.memory_space<vmem>>) semaphore(%arg7 : memref<!tpu.dma_semaphore, #tpu.memory_space<semaphore_mem>>)
    %dma_wait3A = arith.constant 0 : i32
    %dma_wait3A_5 = arith.constant 0 : i32
    %dma_wait3A_6 = tpu.memref_slice %arg2[%dma_wait3A, %dma_wait3A_5] : memref<100000x64xf32, #tpu.memory_space<hbm>> -> memref<100000x64xf32, #tpu.memory_space<hbm>>
    tpu.wait_indirect_dma semaphore(%arg7 : memref<!tpu.dma_semaphore, #tpu.memory_space<semaphore_mem>>) src(%dma_wait3A_6 : memref<100000x64xf32, #tpu.memory_space<hbm>>) dst(%arg6 : memref<256x64xf32, #tpu.memory_space<vmem>>)
    "tpu.region"() ({
      %run_scoped3A = tpu.sem_alloc : memref<!tpu.dma_semaphore, #tpu.memory_space<semaphore_mem>>
      %dma_start3A_7 = arith.constant 0 : i32
      %dma_start3A_8 = tpu.memref_slice %arg4[%mul3A_2, %dma_start3A_7] : memref<8192x64xf32, #tpu.memory_space<hbm>> -> memref<256x64xf32, #tpu.memory_space<hbm>>
      %dma_start3A_9 = arith.constant 0 : i32
      %dma_start3A_10 = tpu.memref_slice %arg4[%mul3A_2, %dma_start3A_9] : memref<8192x64xf32, #tpu.memory_space<hbm>> -> memref<256x64xf32, #tpu.memory_space<hbm>>
      tpu.enqueue_dma source(%arg6 : memref<256x64xf32, #tpu.memory_space<vmem>>) target(%dma_start3A_10 : memref<256x64xf32, #tpu.memory_space<hbm>>) target_semaphore(%run_scoped3A : memref<!tpu.dma_semaphore, #tpu.memory_space<semaphore_mem>>)
      %dma_wait3A_11 = arith.constant 0 : i32
      %dma_wait3A_12 = tpu.memref_slice %arg4[%mul3A_2, %dma_wait3A_11] : memref<8192x64xf32, #tpu.memory_space<hbm>> -> memref<256x64xf32, #tpu.memory_space<hbm>>
      %dma_wait3A_13 = arith.constant 0 : i32
      %dma_wait3A_14 = tpu.memref_slice %arg4[%mul3A_2, %dma_wait3A_13] : memref<8192x64xf32, #tpu.memory_space<hbm>> -> memref<256x64xf32, #tpu.memory_space<hbm>>
      tpu.wait_dma2 semaphore(%run_scoped3A : memref<!tpu.dma_semaphore, #tpu.memory_space<semaphore_mem>>) src(%arg6 : memref<256x64xf32, #tpu.memory_space<vmem>>) dst(%dma_wait3A_14 : memref<256x64xf32, #tpu.memory_space<hbm>>)
      tpu.yield
    }) : () -> ()
    return
  }
}

#map = affine_map<(d0, d1) -> (0, 0)>
#map1 = affine_map<(d0, d1) -> (0)>
module attributes {stable_mosaic.version = 14 : i64} {
  func.func @_sc_gather_body(%arg0: i32, %arg1: i32, %arg2: memref<100000x64xf32, #tpu.memory_space<hbm>>, %arg3: memref<417792xi32, #tpu.memory_space<hbm>>, %arg4: memref<417792x64xf32, #tpu.memory_space<hbm>>, %arg5: memref<13056xi32, #tpu.memory_space<vmem>>, %arg6: memref<1632x64xf32, #tpu.memory_space<vmem>>, %arg7: memref<!tpu.dma_semaphore, #tpu.memory_space<semaphore_mem>>) attributes {dimension_semantics = [#tpu.dimension_semantics<core_parallel>, #tpu.dimension_semantics<subcore_parallel>], iteration_bounds = array<i64: 2, 16>, scalar_prefetch = 0 : i64, scratch_operands = 3 : i64, tpu.core_type = #tpu.core_type<sc_vector_subcore>, window_params = [{transform_indices = #map}, {transform_indices = #map1}, {transform_indices = #map}]} {
    %mul3A = arith.constant 2 : i32
    %mul3A_0 = arith.muli %arg1, %mul3A : i32
    %add3A = arith.addi %mul3A_0, %arg0 : i32
    %mul3A_1 = arith.constant 13056 : i32
    %mul3A_2 = arith.muli %add3A, %mul3A_1 : i32
    "tpu.region"() ({
      %run_scoped3A = tpu.sem_alloc : memref<!tpu.dma_semaphore, #tpu.memory_space<semaphore_mem>>
      %dma_start3A_97 = tpu.memref_slice %arg3[%mul3A_2] : memref<417792xi32, #tpu.memory_space<hbm>> -> memref<13056xi32, #tpu.memory_space<hbm>>
      %dma_start3A_98 = tpu.memref_slice %arg3[%mul3A_2] : memref<417792xi32, #tpu.memory_space<hbm>> -> memref<13056xi32, #tpu.memory_space<hbm>>
      tpu.enqueue_dma source(%dma_start3A_98 : memref<13056xi32, #tpu.memory_space<hbm>>) target(%arg5 : memref<13056xi32, #tpu.memory_space<vmem>>) target_semaphore(%run_scoped3A : memref<!tpu.dma_semaphore, #tpu.memory_space<semaphore_mem>>)
      %dma_wait3A_99 = tpu.memref_slice %arg3[%mul3A_2] : memref<417792xi32, #tpu.memory_space<hbm>> -> memref<13056xi32, #tpu.memory_space<hbm>>
      %dma_wait3A_100 = tpu.memref_slice %arg3[%mul3A_2] : memref<417792xi32, #tpu.memory_space<hbm>> -> memref<13056xi32, #tpu.memory_space<hbm>>
      tpu.wait_dma2 semaphore(%run_scoped3A : memref<!tpu.dma_semaphore, #tpu.memory_space<semaphore_mem>>) src(%dma_wait3A_100 : memref<13056xi32, #tpu.memory_space<hbm>>) dst(%arg5 : memref<13056xi32, #tpu.memory_space<vmem>>)
      tpu.yield
    }) : () -> ()
    %dma_start3A = arith.constant 0 : i32
    %dma_start3A_3 = tpu.memref_slice %arg5[%dma_start3A] : memref<13056xi32, #tpu.memory_space<vmem>> -> memref<1632xi32, #tpu.memory_space<vmem>>
    %dma_start3A_4 = arith.constant 0 : i32
    %dma_start3A_5 = arith.constant 0 : i32
    %dma_start3A_6 = tpu.memref_slice %arg2[%dma_start3A_4, %dma_start3A_5] : memref<100000x64xf32, #tpu.memory_space<hbm>> -> memref<100000x64xf32, #tpu.memory_space<hbm>>
    tpu.enqueue_indirect_dma source(%dma_start3A_6 : memref<100000x64xf32, #tpu.memory_space<hbm>>) target(%arg6 : memref<1632x64xf32, #tpu.memory_space<vmem>>) offsets(%dma_start3A_3 : memref<1632xi32, #tpu.memory_space<vmem>>) semaphore(%arg7 : memref<!tpu.dma_semaphore, #tpu.memory_space<semaphore_mem>>)
    %dma_wait3A = arith.constant 0 : i32
    %dma_wait3A_7 = tpu.memref_slice %arg5[%dma_wait3A] : memref<13056xi32, #tpu.memory_space<vmem>> -> memref<1632xi32, #tpu.memory_space<vmem>>
    %dma_wait3A_8 = arith.constant 0 : i32
    %dma_wait3A_9 = arith.constant 0 : i32
    %dma_wait3A_10 = tpu.memref_slice %arg2[%dma_wait3A_8, %dma_wait3A_9] : memref<100000x64xf32, #tpu.memory_space<hbm>> -> memref<100000x64xf32, #tpu.memory_space<hbm>>
    tpu.wait_indirect_dma semaphore(%arg7 : memref<!tpu.dma_semaphore, #tpu.memory_space<semaphore_mem>>) src(%dma_wait3A_10 : memref<100000x64xf32, #tpu.memory_space<hbm>>) dst(%arg6 : memref<1632x64xf32, #tpu.memory_space<vmem>>)
    %add3A_11 = arith.constant 0 : i32
    %add3A_12 = arith.addi %mul3A_2, %add3A_11 : i32
    "tpu.region"() ({
      %run_scoped3A = tpu.sem_alloc : memref<!tpu.dma_semaphore, #tpu.memory_space<semaphore_mem>>
      %dma_start3A_97 = arith.constant 0 : i32
      %dma_start3A_98 = tpu.memref_slice %arg4[%add3A_12, %dma_start3A_97] : memref<417792x64xf32, #tpu.memory_space<hbm>> -> memref<1632x64xf32, #tpu.memory_space<hbm>>
      %dma_start3A_99 = arith.constant 0 : i32
      %dma_start3A_100 = tpu.memref_slice %arg4[%add3A_12, %dma_start3A_99] : memref<417792x64xf32, #tpu.memory_space<hbm>> -> memref<1632x64xf32, #tpu.memory_space<hbm>>
      tpu.enqueue_dma source(%arg6 : memref<1632x64xf32, #tpu.memory_space<vmem>>) target(%dma_start3A_100 : memref<1632x64xf32, #tpu.memory_space<hbm>>) target_semaphore(%run_scoped3A : memref<!tpu.dma_semaphore, #tpu.memory_space<semaphore_mem>>)
      %dma_wait3A_101 = arith.constant 0 : i32
      %dma_wait3A_102 = tpu.memref_slice %arg4[%add3A_12, %dma_wait3A_101] : memref<417792x64xf32, #tpu.memory_space<hbm>> -> memref<1632x64xf32, #tpu.memory_space<hbm>>
      %dma_wait3A_103 = arith.constant 0 : i32
      %dma_wait3A_104 = tpu.memref_slice %arg4[%add3A_12, %dma_wait3A_103] : memref<417792x64xf32, #tpu.memory_space<hbm>> -> memref<1632x64xf32, #tpu.memory_space<hbm>>
      tpu.wait_dma2 semaphore(%run_scoped3A : memref<!tpu.dma_semaphore, #tpu.memory_space<semaphore_mem>>) src(%arg6 : memref<1632x64xf32, #tpu.memory_space<vmem>>) dst(%dma_wait3A_104 : memref<1632x64xf32, #tpu.memory_space<hbm>>)
      tpu.yield
    }) : () -> ()
    %dma_start3A_13 = arith.constant 1632 : i32
    %dma_start3A_14 = tpu.memref_slice %arg5[%dma_start3A_13] : memref<13056xi32, #tpu.memory_space<vmem>> -> memref<1632xi32, #tpu.memory_space<vmem>>
    %dma_start3A_15 = arith.constant 0 : i32
    %dma_start3A_16 = arith.constant 0 : i32
    %dma_start3A_17 = tpu.memref_slice %arg2[%dma_start3A_15, %dma_start3A_16] : memref<100000x64xf32, #tpu.memory_space<hbm>> -> memref<100000x64xf32, #tpu.memory_space<hbm>>
    tpu.enqueue_indirect_dma source(%dma_start3A_17 : memref<100000x64xf32, #tpu.memory_space<hbm>>) target(%arg6 : memref<1632x64xf32, #tpu.memory_space<vmem>>) offsets(%dma_start3A_14 : memref<1632xi32, #tpu.memory_space<vmem>>) semaphore(%arg7 : memref<!tpu.dma_semaphore, #tpu.memory_space<semaphore_mem>>)
    %dma_wait3A_18 = arith.constant 1632 : i32
    %dma_wait3A_19 = tpu.memref_slice %arg5[%dma_wait3A_18] : memref<13056xi32, #tpu.memory_space<vmem>> -> memref<1632xi32, #tpu.memory_space<vmem>>
    %dma_wait3A_20 = arith.constant 0 : i32
    %dma_wait3A_21 = arith.constant 0 : i32
    %dma_wait3A_22 = tpu.memref_slice %arg2[%dma_wait3A_20, %dma_wait3A_21] : memref<100000x64xf32, #tpu.memory_space<hbm>> -> memref<100000x64xf32, #tpu.memory_space<hbm>>
    tpu.wait_indirect_dma semaphore(%arg7 : memref<!tpu.dma_semaphore, #tpu.memory_space<semaphore_mem>>) src(%dma_wait3A_22 : memref<100000x64xf32, #tpu.memory_space<hbm>>) dst(%arg6 : memref<1632x64xf32, #tpu.memory_space<vmem>>)
    %add3A_23 = arith.constant 1632 : i32
    %add3A_24 = arith.addi %mul3A_2, %add3A_23 : i32
    "tpu.region"() ({
      %run_scoped3A = tpu.sem_alloc : memref<!tpu.dma_semaphore, #tpu.memory_space<semaphore_mem>>
      %dma_start3A_97 = arith.constant 0 : i32
      %dma_start3A_98 = tpu.memref_slice %arg4[%add3A_24, %dma_start3A_97] : memref<417792x64xf32, #tpu.memory_space<hbm>> -> memref<1632x64xf32, #tpu.memory_space<hbm>>
      %dma_start3A_99 = arith.constant 0 : i32
      %dma_start3A_100 = tpu.memref_slice %arg4[%add3A_24, %dma_start3A_99] : memref<417792x64xf32, #tpu.memory_space<hbm>> -> memref<1632x64xf32, #tpu.memory_space<hbm>>
      tpu.enqueue_dma source(%arg6 : memref<1632x64xf32, #tpu.memory_space<vmem>>) target(%dma_start3A_100 : memref<1632x64xf32, #tpu.memory_space<hbm>>) target_semaphore(%run_scoped3A : memref<!tpu.dma_semaphore, #tpu.memory_space<semaphore_mem>>)
      %dma_wait3A_101 = arith.constant 0 : i32
      %dma_wait3A_102 = tpu.memref_slice %arg4[%add3A_24, %dma_wait3A_101] : memref<417792x64xf32, #tpu.memory_space<hbm>> -> memref<1632x64xf32, #tpu.memory_space<hbm>>
      %dma_wait3A_103 = arith.constant 0 : i32
      %dma_wait3A_104 = tpu.memref_slice %arg4[%add3A_24, %dma_wait3A_103] : memref<417792x64xf32, #tpu.memory_space<hbm>> -> memref<1632x64xf32, #tpu.memory_space<hbm>>
      tpu.wait_dma2 semaphore(%run_scoped3A : memref<!tpu.dma_semaphore, #tpu.memory_space<semaphore_mem>>) src(%arg6 : memref<1632x64xf32, #tpu.memory_space<vmem>>) dst(%dma_wait3A_104 : memref<1632x64xf32, #tpu.memory_space<hbm>>)
      tpu.yield
    }) : () -> ()
    %dma_start3A_25 = arith.constant 3264 : i32
    %dma_start3A_26 = tpu.memref_slice %arg5[%dma_start3A_25] : memref<13056xi32, #tpu.memory_space<vmem>> -> memref<1632xi32, #tpu.memory_space<vmem>>
    %dma_start3A_27 = arith.constant 0 : i32
    %dma_start3A_28 = arith.constant 0 : i32
    %dma_start3A_29 = tpu.memref_slice %arg2[%dma_start3A_27, %dma_start3A_28] : memref<100000x64xf32, #tpu.memory_space<hbm>> -> memref<100000x64xf32, #tpu.memory_space<hbm>>
    tpu.enqueue_indirect_dma source(%dma_start3A_29 : memref<100000x64xf32, #tpu.memory_space<hbm>>) target(%arg6 : memref<1632x64xf32, #tpu.memory_space<vmem>>) offsets(%dma_start3A_26 : memref<1632xi32, #tpu.memory_space<vmem>>) semaphore(%arg7 : memref<!tpu.dma_semaphore, #tpu.memory_space<semaphore_mem>>)
    %dma_wait3A_30 = arith.constant 3264 : i32
    %dma_wait3A_31 = tpu.memref_slice %arg5[%dma_wait3A_30] : memref<13056xi32, #tpu.memory_space<vmem>> -> memref<1632xi32, #tpu.memory_space<vmem>>
    %dma_wait3A_32 = arith.constant 0 : i32
    %dma_wait3A_33 = arith.constant 0 : i32
    %dma_wait3A_34 = tpu.memref_slice %arg2[%dma_wait3A_32, %dma_wait3A_33] : memref<100000x64xf32, #tpu.memory_space<hbm>> -> memref<100000x64xf32, #tpu.memory_space<hbm>>
    tpu.wait_indirect_dma semaphore(%arg7 : memref<!tpu.dma_semaphore, #tpu.memory_space<semaphore_mem>>) src(%dma_wait3A_34 : memref<100000x64xf32, #tpu.memory_space<hbm>>) dst(%arg6 : memref<1632x64xf32, #tpu.memory_space<vmem>>)
    %add3A_35 = arith.constant 3264 : i32
    %add3A_36 = arith.addi %mul3A_2, %add3A_35 : i32
    "tpu.region"() ({
      %run_scoped3A = tpu.sem_alloc : memref<!tpu.dma_semaphore, #tpu.memory_space<semaphore_mem>>
      %dma_start3A_97 = arith.constant 0 : i32
      %dma_start3A_98 = tpu.memref_slice %arg4[%add3A_36, %dma_start3A_97] : memref<417792x64xf32, #tpu.memory_space<hbm>> -> memref<1632x64xf32, #tpu.memory_space<hbm>>
      %dma_start3A_99 = arith.constant 0 : i32
      %dma_start3A_100 = tpu.memref_slice %arg4[%add3A_36, %dma_start3A_99] : memref<417792x64xf32, #tpu.memory_space<hbm>> -> memref<1632x64xf32, #tpu.memory_space<hbm>>
      tpu.enqueue_dma source(%arg6 : memref<1632x64xf32, #tpu.memory_space<vmem>>) target(%dma_start3A_100 : memref<1632x64xf32, #tpu.memory_space<hbm>>) target_semaphore(%run_scoped3A : memref<!tpu.dma_semaphore, #tpu.memory_space<semaphore_mem>>)
      %dma_wait3A_101 = arith.constant 0 : i32
      %dma_wait3A_102 = tpu.memref_slice %arg4[%add3A_36, %dma_wait3A_101] : memref<417792x64xf32, #tpu.memory_space<hbm>> -> memref<1632x64xf32, #tpu.memory_space<hbm>>
      %dma_wait3A_103 = arith.constant 0 : i32
      %dma_wait3A_104 = tpu.memref_slice %arg4[%add3A_36, %dma_wait3A_103] : memref<417792x64xf32, #tpu.memory_space<hbm>> -> memref<1632x64xf32, #tpu.memory_space<hbm>>
      tpu.wait_dma2 semaphore(%run_scoped3A : memref<!tpu.dma_semaphore, #tpu.memory_space<semaphore_mem>>) src(%arg6 : memref<1632x64xf32, #tpu.memory_space<vmem>>) dst(%dma_wait3A_104 : memref<1632x64xf32, #tpu.memory_space<hbm>>)
      tpu.yield
    }) : () -> ()
    %dma_start3A_37 = arith.constant 4896 : i32
    %dma_start3A_38 = tpu.memref_slice %arg5[%dma_start3A_37] : memref<13056xi32, #tpu.memory_space<vmem>> -> memref<1632xi32, #tpu.memory_space<vmem>>
    %dma_start3A_39 = arith.constant 0 : i32
    %dma_start3A_40 = arith.constant 0 : i32
    %dma_start3A_41 = tpu.memref_slice %arg2[%dma_start3A_39, %dma_start3A_40] : memref<100000x64xf32, #tpu.memory_space<hbm>> -> memref<100000x64xf32, #tpu.memory_space<hbm>>
    tpu.enqueue_indirect_dma source(%dma_start3A_41 : memref<100000x64xf32, #tpu.memory_space<hbm>>) target(%arg6 : memref<1632x64xf32, #tpu.memory_space<vmem>>) offsets(%dma_start3A_38 : memref<1632xi32, #tpu.memory_space<vmem>>) semaphore(%arg7 : memref<!tpu.dma_semaphore, #tpu.memory_space<semaphore_mem>>)
    %dma_wait3A_42 = arith.constant 4896 : i32
    %dma_wait3A_43 = tpu.memref_slice %arg5[%dma_wait3A_42] : memref<13056xi32, #tpu.memory_space<vmem>> -> memref<1632xi32, #tpu.memory_space<vmem>>
    %dma_wait3A_44 = arith.constant 0 : i32
    %dma_wait3A_45 = arith.constant 0 : i32
    %dma_wait3A_46 = tpu.memref_slice %arg2[%dma_wait3A_44, %dma_wait3A_45] : memref<100000x64xf32, #tpu.memory_space<hbm>> -> memref<100000x64xf32, #tpu.memory_space<hbm>>
    tpu.wait_indirect_dma semaphore(%arg7 : memref<!tpu.dma_semaphore, #tpu.memory_space<semaphore_mem>>) src(%dma_wait3A_46 : memref<100000x64xf32, #tpu.memory_space<hbm>>) dst(%arg6 : memref<1632x64xf32, #tpu.memory_space<vmem>>)
    %add3A_47 = arith.constant 4896 : i32
    %add3A_48 = arith.addi %mul3A_2, %add3A_47 : i32
    "tpu.region"() ({
      %run_scoped3A = tpu.sem_alloc : memref<!tpu.dma_semaphore, #tpu.memory_space<semaphore_mem>>
      %dma_start3A_97 = arith.constant 0 : i32
      %dma_start3A_98 = tpu.memref_slice %arg4[%add3A_48, %dma_start3A_97] : memref<417792x64xf32, #tpu.memory_space<hbm>> -> memref<1632x64xf32, #tpu.memory_space<hbm>>
      %dma_start3A_99 = arith.constant 0 : i32
      %dma_start3A_100 = tpu.memref_slice %arg4[%add3A_48, %dma_start3A_99] : memref<417792x64xf32, #tpu.memory_space<hbm>> -> memref<1632x64xf32, #tpu.memory_space<hbm>>
      tpu.enqueue_dma source(%arg6 : memref<1632x64xf32, #tpu.memory_space<vmem>>) target(%dma_start3A_100 : memref<1632x64xf32, #tpu.memory_space<hbm>>) target_semaphore(%run_scoped3A : memref<!tpu.dma_semaphore, #tpu.memory_space<semaphore_mem>>)
      %dma_wait3A_101 = arith.constant 0 : i32
      %dma_wait3A_102 = tpu.memref_slice %arg4[%add3A_48, %dma_wait3A_101] : memref<417792x64xf32, #tpu.memory_space<hbm>> -> memref<1632x64xf32, #tpu.memory_space<hbm>>
      %dma_wait3A_103 = arith.constant 0 : i32
      %dma_wait3A_104 = tpu.memref_slice %arg4[%add3A_48, %dma_wait3A_103] : memref<417792x64xf32, #tpu.memory_space<hbm>> -> memref<1632x64xf32, #tpu.memory_space<hbm>>
      tpu.wait_dma2 semaphore(%run_scoped3A : memref<!tpu.dma_semaphore, #tpu.memory_space<semaphore_mem>>) src(%arg6 : memref<1632x64xf32, #tpu.memory_space<vmem>>) dst(%dma_wait3A_104 : memref<1632x64xf32, #tpu.memory_space<hbm>>)
      tpu.yield
    }) : () -> ()
    %dma_start3A_49 = arith.constant 6528 : i32
    %dma_start3A_50 = tpu.memref_slice %arg5[%dma_start3A_49] : memref<13056xi32, #tpu.memory_space<vmem>> -> memref<1632xi32, #tpu.memory_space<vmem>>
    %dma_start3A_51 = arith.constant 0 : i32
    %dma_start3A_52 = arith.constant 0 : i32
    %dma_start3A_53 = tpu.memref_slice %arg2[%dma_start3A_51, %dma_start3A_52] : memref<100000x64xf32, #tpu.memory_space<hbm>> -> memref<100000x64xf32, #tpu.memory_space<hbm>>
    tpu.enqueue_indirect_dma source(%dma_start3A_53 : memref<100000x64xf32, #tpu.memory_space<hbm>>) target(%arg6 : memref<1632x64xf32, #tpu.memory_space<vmem>>) offsets(%dma_start3A_50 : memref<1632xi32, #tpu.memory_space<vmem>>) semaphore(%arg7 : memref<!tpu.dma_semaphore, #tpu.memory_space<semaphore_mem>>)
    %dma_wait3A_54 = arith.constant 6528 : i32
    %dma_wait3A_55 = tpu.memref_slice %arg5[%dma_wait3A_54] : memref<13056xi32, #tpu.memory_space<vmem>> -> memref<1632xi32, #tpu.memory_space<vmem>>
    %dma_wait3A_56 = arith.constant 0 : i32
    %dma_wait3A_57 = arith.constant 0 : i32
    %dma_wait3A_58 = tpu.memref_slice %arg2[%dma_wait3A_56, %dma_wait3A_57] : memref<100000x64xf32, #tpu.memory_space<hbm>> -> memref<100000x64xf32, #tpu.memory_space<hbm>>
    tpu.wait_indirect_dma semaphore(%arg7 : memref<!tpu.dma_semaphore, #tpu.memory_space<semaphore_mem>>) src(%dma_wait3A_58 : memref<100000x64xf32, #tpu.memory_space<hbm>>) dst(%arg6 : memref<1632x64xf32, #tpu.memory_space<vmem>>)
    %add3A_59 = arith.constant 6528 : i32
    %add3A_60 = arith.addi %mul3A_2, %add3A_59 : i32
    "tpu.region"() ({
      %run_scoped3A = tpu.sem_alloc : memref<!tpu.dma_semaphore, #tpu.memory_space<semaphore_mem>>
      %dma_start3A_97 = arith.constant 0 : i32
      %dma_start3A_98 = tpu.memref_slice %arg4[%add3A_60, %dma_start3A_97] : memref<417792x64xf32, #tpu.memory_space<hbm>> -> memref<1632x64xf32, #tpu.memory_space<hbm>>
      %dma_start3A_99 = arith.constant 0 : i32
      %dma_start3A_100 = tpu.memref_slice %arg4[%add3A_60, %dma_start3A_99] : memref<417792x64xf32, #tpu.memory_space<hbm>> -> memref<1632x64xf32, #tpu.memory_space<hbm>>
      tpu.enqueue_dma source(%arg6 : memref<1632x64xf32, #tpu.memory_space<vmem>>) target(%dma_start3A_100 : memref<1632x64xf32, #tpu.memory_space<hbm>>) target_semaphore(%run_scoped3A : memref<!tpu.dma_semaphore, #tpu.memory_space<semaphore_mem>>)
      %dma_wait3A_101 = arith.constant 0 : i32
      %dma_wait3A_102 = tpu.memref_slice %arg4[%add3A_60, %dma_wait3A_101] : memref<417792x64xf32, #tpu.memory_space<hbm>> -> memref<1632x64xf32, #tpu.memory_space<hbm>>
      %dma_wait3A_103 = arith.constant 0 : i32
      %dma_wait3A_104 = tpu.memref_slice %arg4[%add3A_60, %dma_wait3A_103] : memref<417792x64xf32, #tpu.memory_space<hbm>> -> memref<1632x64xf32, #tpu.memory_space<hbm>>
      tpu.wait_dma2 semaphore(%run_scoped3A : memref<!tpu.dma_semaphore, #tpu.memory_space<semaphore_mem>>) src(%arg6 : memref<1632x64xf32, #tpu.memory_space<vmem>>) dst(%dma_wait3A_104 : memref<1632x64xf32, #tpu.memory_space<hbm>>)
      tpu.yield
    }) : () -> ()
    %dma_start3A_61 = arith.constant 8160 : i32
    %dma_start3A_62 = tpu.memref_slice %arg5[%dma_start3A_61] : memref<13056xi32, #tpu.memory_space<vmem>> -> memref<1632xi32, #tpu.memory_space<vmem>>
    %dma_start3A_63 = arith.constant 0 : i32
    %dma_start3A_64 = arith.constant 0 : i32
    %dma_start3A_65 = tpu.memref_slice %arg2[%dma_start3A_63, %dma_start3A_64] : memref<100000x64xf32, #tpu.memory_space<hbm>> -> memref<100000x64xf32, #tpu.memory_space<hbm>>
    tpu.enqueue_indirect_dma source(%dma_start3A_65 : memref<100000x64xf32, #tpu.memory_space<hbm>>) target(%arg6 : memref<1632x64xf32, #tpu.memory_space<vmem>>) offsets(%dma_start3A_62 : memref<1632xi32, #tpu.memory_space<vmem>>) semaphore(%arg7 : memref<!tpu.dma_semaphore, #tpu.memory_space<semaphore_mem>>)
    %dma_wait3A_66 = arith.constant 8160 : i32
    %dma_wait3A_67 = tpu.memref_slice %arg5[%dma_wait3A_66] : memref<13056xi32, #tpu.memory_space<vmem>> -> memref<1632xi32, #tpu.memory_space<vmem>>
    %dma_wait3A_68 = arith.constant 0 : i32
    %dma_wait3A_69 = arith.constant 0 : i32
    %dma_wait3A_70 = tpu.memref_slice %arg2[%dma_wait3A_68, %dma_wait3A_69] : memref<100000x64xf32, #tpu.memory_space<hbm>> -> memref<100000x64xf32, #tpu.memory_space<hbm>>
    tpu.wait_indirect_dma semaphore(%arg7 : memref<!tpu.dma_semaphore, #tpu.memory_space<semaphore_mem>>) src(%dma_wait3A_70 : memref<100000x64xf32, #tpu.memory_space<hbm>>) dst(%arg6 : memref<1632x64xf32, #tpu.memory_space<vmem>>)
    %add3A_71 = arith.constant 8160 : i32
    %add3A_72 = arith.addi %mul3A_2, %add3A_71 : i32
    "tpu.region"() ({
      %run_scoped3A = tpu.sem_alloc : memref<!tpu.dma_semaphore, #tpu.memory_space<semaphore_mem>>
      %dma_start3A_97 = arith.constant 0 : i32
      %dma_start3A_98 = tpu.memref_slice %arg4[%add3A_72, %dma_start3A_97] : memref<417792x64xf32, #tpu.memory_space<hbm>> -> memref<1632x64xf32, #tpu.memory_space<hbm>>
      %dma_start3A_99 = arith.constant 0 : i32
      %dma_start3A_100 = tpu.memref_slice %arg4[%add3A_72, %dma_start3A_99] : memref<417792x64xf32, #tpu.memory_space<hbm>> -> memref<1632x64xf32, #tpu.memory_space<hbm>>
      tpu.enqueue_dma source(%arg6 : memref<1632x64xf32, #tpu.memory_space<vmem>>) target(%dma_start3A_100 : memref<1632x64xf32, #tpu.memory_space<hbm>>) target_semaphore(%run_scoped3A : memref<!tpu.dma_semaphore, #tpu.memory_space<semaphore_mem>>)
      %dma_wait3A_101 = arith.constant 0 : i32
      %dma_wait3A_102 = tpu.memref_slice %arg4[%add3A_72, %dma_wait3A_101] : memref<417792x64xf32, #tpu.memory_space<hbm>> -> memref<1632x64xf32, #tpu.memory_space<hbm>>
      %dma_wait3A_103 = arith.constant 0 : i32
      %dma_wait3A_104 = tpu.memref_slice %arg4[%add3A_72, %dma_wait3A_103] : memref<417792x64xf32, #tpu.memory_space<hbm>> -> memref<1632x64xf32, #tpu.memory_space<hbm>>
      tpu.wait_dma2 semaphore(%run_scoped3A : memref<!tpu.dma_semaphore, #tpu.memory_space<semaphore_mem>>) src(%arg6 : memref<1632x64xf32, #tpu.memory_space<vmem>>) dst(%dma_wait3A_104 : memref<1632x64xf32, #tpu.memory_space<hbm>>)
      tpu.yield
    }) : () -> ()
    %dma_start3A_73 = arith.constant 9792 : i32
    %dma_start3A_74 = tpu.memref_slice %arg5[%dma_start3A_73] : memref<13056xi32, #tpu.memory_space<vmem>> -> memref<1632xi32, #tpu.memory_space<vmem>>
    %dma_start3A_75 = arith.constant 0 : i32
    %dma_start3A_76 = arith.constant 0 : i32
    %dma_start3A_77 = tpu.memref_slice %arg2[%dma_start3A_75, %dma_start3A_76] : memref<100000x64xf32, #tpu.memory_space<hbm>> -> memref<100000x64xf32, #tpu.memory_space<hbm>>
    tpu.enqueue_indirect_dma source(%dma_start3A_77 : memref<100000x64xf32, #tpu.memory_space<hbm>>) target(%arg6 : memref<1632x64xf32, #tpu.memory_space<vmem>>) offsets(%dma_start3A_74 : memref<1632xi32, #tpu.memory_space<vmem>>) semaphore(%arg7 : memref<!tpu.dma_semaphore, #tpu.memory_space<semaphore_mem>>)
    %dma_wait3A_78 = arith.constant 9792 : i32
    %dma_wait3A_79 = tpu.memref_slice %arg5[%dma_wait3A_78] : memref<13056xi32, #tpu.memory_space<vmem>> -> memref<1632xi32, #tpu.memory_space<vmem>>
    %dma_wait3A_80 = arith.constant 0 : i32
    %dma_wait3A_81 = arith.constant 0 : i32
    %dma_wait3A_82 = tpu.memref_slice %arg2[%dma_wait3A_80, %dma_wait3A_81] : memref<100000x64xf32, #tpu.memory_space<hbm>> -> memref<100000x64xf32, #tpu.memory_space<hbm>>
    tpu.wait_indirect_dma semaphore(%arg7 : memref<!tpu.dma_semaphore, #tpu.memory_space<semaphore_mem>>) src(%dma_wait3A_82 : memref<100000x64xf32, #tpu.memory_space<hbm>>) dst(%arg6 : memref<1632x64xf32, #tpu.memory_space<vmem>>)
    %add3A_83 = arith.constant 9792 : i32
    %add3A_84 = arith.addi %mul3A_2, %add3A_83 : i32
    "tpu.region"() ({
      %run_scoped3A = tpu.sem_alloc : memref<!tpu.dma_semaphore, #tpu.memory_space<semaphore_mem>>
      %dma_start3A_97 = arith.constant 0 : i32
      %dma_start3A_98 = tpu.memref_slice %arg4[%add3A_84, %dma_start3A_97] : memref<417792x64xf32, #tpu.memory_space<hbm>> -> memref<1632x64xf32, #tpu.memory_space<hbm>>
      %dma_start3A_99 = arith.constant 0 : i32
      %dma_start3A_100 = tpu.memref_slice %arg4[%add3A_84, %dma_start3A_99] : memref<417792x64xf32, #tpu.memory_space<hbm>> -> memref<1632x64xf32, #tpu.memory_space<hbm>>
      tpu.enqueue_dma source(%arg6 : memref<1632x64xf32, #tpu.memory_space<vmem>>) target(%dma_start3A_100 : memref<1632x64xf32, #tpu.memory_space<hbm>>) target_semaphore(%run_scoped3A : memref<!tpu.dma_semaphore, #tpu.memory_space<semaphore_mem>>)
      %dma_wait3A_101 = arith.constant 0 : i32
      %dma_wait3A_102 = tpu.memref_slice %arg4[%add3A_84, %dma_wait3A_101] : memref<417792x64xf32, #tpu.memory_space<hbm>> -> memref<1632x64xf32, #tpu.memory_space<hbm>>
      %dma_wait3A_103 = arith.constant 0 : i32
      %dma_wait3A_104 = tpu.memref_slice %arg4[%add3A_84, %dma_wait3A_103] : memref<417792x64xf32, #tpu.memory_space<hbm>> -> memref<1632x64xf32, #tpu.memory_space<hbm>>
      tpu.wait_dma2 semaphore(%run_scoped3A : memref<!tpu.dma_semaphore, #tpu.memory_space<semaphore_mem>>) src(%arg6 : memref<1632x64xf32, #tpu.memory_space<vmem>>) dst(%dma_wait3A_104 : memref<1632x64xf32, #tpu.memory_space<hbm>>)
      tpu.yield
    }) : () -> ()
    %dma_start3A_85 = arith.constant 11424 : i32
    %dma_start3A_86 = tpu.memref_slice %arg5[%dma_start3A_85] : memref<13056xi32, #tpu.memory_space<vmem>> -> memref<1632xi32, #tpu.memory_space<vmem>>
    %dma_start3A_87 = arith.constant 0 : i32
    %dma_start3A_88 = arith.constant 0 : i32
    %dma_start3A_89 = tpu.memref_slice %arg2[%dma_start3A_87, %dma_start3A_88] : memref<100000x64xf32, #tpu.memory_space<hbm>> -> memref<100000x64xf32, #tpu.memory_space<hbm>>
    tpu.enqueue_indirect_dma source(%dma_start3A_89 : memref<100000x64xf32, #tpu.memory_space<hbm>>) target(%arg6 : memref<1632x64xf32, #tpu.memory_space<vmem>>) offsets(%dma_start3A_86 : memref<1632xi32, #tpu.memory_space<vmem>>) semaphore(%arg7 : memref<!tpu.dma_semaphore, #tpu.memory_space<semaphore_mem>>)
    %dma_wait3A_90 = arith.constant 11424 : i32
    %dma_wait3A_91 = tpu.memref_slice %arg5[%dma_wait3A_90] : memref<13056xi32, #tpu.memory_space<vmem>> -> memref<1632xi32, #tpu.memory_space<vmem>>
    %dma_wait3A_92 = arith.constant 0 : i32
    %dma_wait3A_93 = arith.constant 0 : i32
    %dma_wait3A_94 = tpu.memref_slice %arg2[%dma_wait3A_92, %dma_wait3A_93] : memref<100000x64xf32, #tpu.memory_space<hbm>> -> memref<100000x64xf32, #tpu.memory_space<hbm>>
    tpu.wait_indirect_dma semaphore(%arg7 : memref<!tpu.dma_semaphore, #tpu.memory_space<semaphore_mem>>) src(%dma_wait3A_94 : memref<100000x64xf32, #tpu.memory_space<hbm>>) dst(%arg6 : memref<1632x64xf32, #tpu.memory_space<vmem>>)
    %add3A_95 = arith.constant 11424 : i32
    %add3A_96 = arith.addi %mul3A_2, %add3A_95 : i32
    "tpu.region"() ({
      %run_scoped3A = tpu.sem_alloc : memref<!tpu.dma_semaphore, #tpu.memory_space<semaphore_mem>>
      %dma_start3A_97 = arith.constant 0 : i32
      %dma_start3A_98 = tpu.memref_slice %arg4[%add3A_96, %dma_start3A_97] : memref<417792x64xf32, #tpu.memory_space<hbm>> -> memref<1632x64xf32, #tpu.memory_space<hbm>>
      %dma_start3A_99 = arith.constant 0 : i32
      %dma_start3A_100 = tpu.memref_slice %arg4[%add3A_96, %dma_start3A_99] : memref<417792x64xf32, #tpu.memory_space<hbm>> -> memref<1632x64xf32, #tpu.memory_space<hbm>>
      tpu.enqueue_dma source(%arg6 : memref<1632x64xf32, #tpu.memory_space<vmem>>) target(%dma_start3A_100 : memref<1632x64xf32, #tpu.memory_space<hbm>>) target_semaphore(%run_scoped3A : memref<!tpu.dma_semaphore, #tpu.memory_space<semaphore_mem>>)
      %dma_wait3A_101 = arith.constant 0 : i32
      %dma_wait3A_102 = tpu.memref_slice %arg4[%add3A_96, %dma_wait3A_101] : memref<417792x64xf32, #tpu.memory_space<hbm>> -> memref<1632x64xf32, #tpu.memory_space<hbm>>
      %dma_wait3A_103 = arith.constant 0 : i32
      %dma_wait3A_104 = tpu.memref_slice %arg4[%add3A_96, %dma_wait3A_103] : memref<417792x64xf32, #tpu.memory_space<hbm>> -> memref<1632x64xf32, #tpu.memory_space<hbm>>
      tpu.wait_dma2 semaphore(%run_scoped3A : memref<!tpu.dma_semaphore, #tpu.memory_space<semaphore_mem>>) src(%arg6 : memref<1632x64xf32, #tpu.memory_space<vmem>>) dst(%dma_wait3A_104 : memref<1632x64xf32, #tpu.memory_space<hbm>>)
      tpu.yield
    }) : () -> ()
    return
  }
}

module attributes {stable_mosaic.version = 14 : i64} {
  func.func @_sel_body(%arg0: i32, %arg1: memref<128x64xf32, #tpu.memory_space<vmem>>, %arg2: memref<128x64xf32, #tpu.memory_space<vmem>>, %arg3: memref<128x16xf32, #tpu.memory_space<vmem>>, %arg4: memref<32x1xf32, #tpu.memory_space<vmem>>, %arg5: memref<128x51x64xf32, #tpu.memory_space<vmem>>, %arg6: memref<6528x64xf32, #tpu.memory_space<vmem>>, %arg7: memref<128x51xf32, #tpu.memory_space<vmem>>, %arg8: memref<128x51xi32, #tpu.memory_space<vmem>>, %arg9: memref<128x50x64xf32, #tpu.memory_space<vmem>>, %arg10: memref<128x50xf32, #tpu.memory_space<vmem>>, %arg11: memref<128x50xi32, #tpu.memory_space<vmem>>, %arg12: memref<128x1xi32, #tpu.memory_space<vmem>>, %arg13: memref<1x2xf32, #tpu.memory_space<vmem>>) attributes {dimension_semantics = [#tpu.dimension_semantics<arbitrary>], iteration_bounds = array<i64: 64>, scalar_prefetch = 0 : i64, scratch_operands = 0 : i64, tpu.core_type = #tpu.core_type<tc>, window_params = [{transform_indices = @transform_0, window_bounds = array<i64: 128, 64>}, {transform_indices = @transform_1, window_bounds = array<i64: 128, 64>}, {pipeline_mode = #tpu.pipeline_mode<synchronous>, transform_indices = @transform_2, window_bounds = array<i64: 128, 16>}, {pipeline_mode = #tpu.pipeline_mode<synchronous>, transform_indices = @transform_3, window_bounds = array<i64: 32, 1>}, {transform_indices = @transform_4, window_bounds = array<i64: 128, 51, 64>}, {transform_indices = @transform_5, window_bounds = array<i64: 6528, 64>}, {transform_indices = @transform_6, window_bounds = array<i64: 128, 51>}, {transform_indices = @transform_7, window_bounds = array<i64: 128, 51>}, {transform_indices = @transform_8, window_bounds = array<i64: 128, 50, 64>}, {transform_indices = @transform_9, window_bounds = array<i64: 128, 50>}, {transform_indices = @transform_10, window_bounds = array<i64: 128, 50>}, {transform_indices = @transform_11, window_bounds = array<i64: 128, 1>}, {pipeline_mode = #tpu.pipeline_mode<synchronous>, transform_indices = @transform_12, window_bounds = array<i64: 1, 2>}]} {
    %get3A = arith.constant 0 : index
    %get3A_0 = arith.constant 0 : index
    %get3A_1 = arith.constant 0 : index
    %get3A_2 = vector.load %arg5[%get3A, %get3A_0, %get3A_1] : memref<128x51x64xf32, #tpu.memory_space<vmem>>, vector<128x51x64xf32>
    %get3A_3 = arith.constant 0 : index
    %get3A_4 = arith.constant 0 : index
    %get3A_5 = vector.load %arg6[%get3A_3, %get3A_4] : memref<6528x64xf32, #tpu.memory_space<vmem>>, vector<6528x64xf32>
    %get3A_6 = arith.constant 0 : index
    %get3A_7 = arith.constant 0 : index
    %get3A_8 = vector.load %arg3[%get3A_6, %get3A_7] : memref<128x16xf32, #tpu.memory_space<vmem>>, vector<128x16xf32>
    %convert_element_type3A = arith.truncf %get3A_8 : vector<128x16xf32> to vector<128x16xbf16>
    %get3A_9 = arith.constant 0 : index
    %get3A_10 = arith.constant 0 : index
    %get3A_11 = vector.load %arg4[%get3A_9, %get3A_10] : memref<32x1xf32, #tpu.memory_space<vmem>>, vector<32x1xf32>
    %broadcast_in_dim3A = vector.shape_cast %get3A_11 : vector<32x1xf32> to vector<32x1xf32>
    %broadcast_in_dim3A_12 = vector.broadcast %broadcast_in_dim3A : vector<32x1xf32> to vector<32x8xf32>
    %convert_element_type3A_13 = arith.truncf %broadcast_in_dim3A_12 : vector<32x8xf32> to vector<32x8xbf16>
    %get3A_14 = arith.constant 0 : index
    %get3A_15 = arith.constant 0 : index
    %get3A_16 = vector.load %arg1[%get3A_14, %get3A_15] : memref<128x64xf32, #tpu.memory_space<vmem>>, vector<128x64xf32>
    %get3A_17 = arith.constant 0 : index
    %get3A_18 = arith.constant 0 : index
    %get3A_19 = vector.load %arg2[%get3A_17, %get3A_18] : memref<128x64xf32, #tpu.memory_space<vmem>>, vector<128x64xf32>
    %concatenate3A = tpu.concatenate %get3A_16, %get3A_19 in 1 : vector<128x64xf32>, vector<128x64xf32> -> vector<128x128xf32>
    %convert_element_type3A_20 = arith.truncf %concatenate3A : vector<128x128xf32> to vector<128x128xbf16>
    %dot_general3A = arith.constant dense<0.000000e+00> : vector<128x16xf32>
    %dot_general3A_21 = tpu.matmul %convert_element_type3A_20, %convert_element_type3A, %dot_general3A {dimension_numbers = #tpu.dot_dimension_numbers<[1], [0], [0], [1], [0, 0, 1, 1], [], []>, transpose_lhs_hint = false} : vector<128x128xbf16>, vector<128x16xbf16>, vector<128x16xf32> -> vector<128x16xf32>
    %convert_element_type3A_22 = arith.truncf %get3A_2 : vector<128x51x64xf32> to vector<128x51x64xbf16>
    %reshape3A = vector.shape_cast %convert_element_type3A_22 : vector<128x51x64xbf16> to vector<6528x64xbf16>
    %convert_element_type3A_23 = arith.truncf %get3A_5 : vector<6528x64xf32> to vector<6528x64xbf16>
    %concatenate3A_24 = tpu.concatenate %reshape3A, %convert_element_type3A_23 in 1 : vector<6528x64xbf16>, vector<6528x64xbf16> -> vector<6528x128xbf16>
    %dot_general3A_25 = arith.constant dense<0.000000e+00> : vector<6528x16xf32>
    %dot_general3A_26 = tpu.matmul %concatenate3A_24, %convert_element_type3A, %dot_general3A_25 {dimension_numbers = #tpu.dot_dimension_numbers<[1], [0], [0], [1], [0, 0, 1, 1], [], []>, transpose_lhs_hint = false} : vector<6528x128xbf16>, vector<128x16xbf16>, vector<6528x16xf32> -> vector<6528x16xf32>
    %broadcast_in_dim3A_27 = vector.shape_cast %dot_general3A_21 : vector<128x16xf32> to vector<128x1x16xf32>
    %broadcast_in_dim3A_28 = vector.broadcast %broadcast_in_dim3A_27 : vector<128x1x16xf32> to vector<128x51x16xf32>
    %reshape3A_29 = vector.shape_cast %broadcast_in_dim3A_28 : vector<128x51x16xf32> to vector<6528x16xf32>
    %concatenate3A_30 = tpu.concatenate %reshape3A_29, %dot_general3A_26 in 1 : vector<6528x16xf32>, vector<6528x16xf32> -> vector<6528x32xf32>
    %convert_element_type3A_31 = arith.truncf %concatenate3A_30 : vector<6528x32xf32> to vector<6528x32xbf16>
    %dot_general3A_32 = arith.constant dense<0.000000e+00> : vector<6528x8xf32>
    %dot_general3A_33 = tpu.matmul %convert_element_type3A_31, %convert_element_type3A_13, %dot_general3A_32 {dimension_numbers = #tpu.dot_dimension_numbers<[1], [0], [0], [1], [0, 0, 1, 1], [], []>, transpose_lhs_hint = false} : vector<6528x32xbf16>, vector<32x8xbf16>, vector<6528x8xf32> -> vector<6528x8xf32>
    %reshape3A_34 = vector.shape_cast %dot_general3A_33 : vector<6528x8xf32> to vector<128x51x8xf32>
    %reduce_min3A = arith.constant dense<0x7F800000> : vector<128x8xf32>
    %reduce_min3A_35 = vector.multi_reduction <minimumf>, %reshape3A_34, %reduce_min3A [1] : vector<128x51x8xf32> to vector<128x8xf32>
    %broadcast_in_dim3A_36 = vector.shape_cast %reduce_min3A_35 : vector<128x8xf32> to vector<128x1x8xf32>
    %iota3A = tpu.iota {dimensions = array<i32: 1>} : vector<128x51x8xi32>
    %eq3A = vector.broadcast %broadcast_in_dim3A_36 : vector<128x1x8xf32> to vector<128x51x8xf32>
    %eq3A_37 = arith.cmpf oeq, %reshape3A_34, %eq3A : vector<128x51x8xf32>
    %jit3A = arith.constant -1 : i32
    %broadcast_in_dim3A_38 = vector.broadcast %jit3A : i32 to vector<128x51x8xi32>
    %select_n3A = arith.select %eq3A_37, %iota3A, %broadcast_in_dim3A_38 : vector<128x51x8xi1>, vector<128x51x8xi32>
    %reduce_max3A = arith.constant dense<-2147483648> : vector<128x8xi32>
    %reduce_max3A_39 = vector.multi_reduction <maxsi>, %select_n3A, %reduce_max3A [1] : vector<128x51x8xi32> to vector<128x8xi32>
    %slice3A = vector.extract_strided_slice %reduce_max3A_39 {offsets = [0, 0], sizes = [128, 1], strides = [1, 1]} : vector<128x8xi32> to vector<128x1xi32>
    %iota3A_40 = tpu.iota {dimensions = array<i32: 1>} : vector<128x50xi32>
    %broadcast_in_dim3A_41 = vector.shape_cast %slice3A : vector<128x1xi32> to vector<128x1xi32>
    %broadcast_in_dim3A_42 = vector.broadcast %broadcast_in_dim3A_41 : vector<128x1xi32> to vector<128x50xi32>
    %lt3A = arith.cmpi slt, %iota3A_40, %broadcast_in_dim3A_42 : vector<128x50xi32>
    %iota3A_43 = tpu.iota {dimensions = array<i32: 1>} : vector<128x50x64xi32>
    %broadcast_in_dim3A_44 = vector.shape_cast %slice3A : vector<128x1xi32> to vector<128x1x1xi32>
    %broadcast_in_dim3A_45 = vector.broadcast %broadcast_in_dim3A_44 : vector<128x1x1xi32> to vector<128x50x64xi32>
    %lt3A_46 = arith.cmpi slt, %iota3A_43, %broadcast_in_dim3A_45 : vector<128x50x64xi32>
    %slice3A_47 = vector.extract_strided_slice %get3A_2 {offsets = [0, 0, 0], sizes = [128, 50, 64], strides = [1, 1, 1]} : vector<128x51x64xf32> to vector<128x50x64xf32>
    %slice3A_48 = vector.extract_strided_slice %get3A_2 {offsets = [0, 1, 0], sizes = [128, 50, 64], strides = [1, 1, 1]} : vector<128x51x64xf32> to vector<128x50x64xf32>
    %select_n3A_49 = arith.select %lt3A_46, %slice3A_47, %slice3A_48 : vector<128x50x64xi1>, vector<128x50x64xf32>
    %swap3A = arith.constant 0 : index
    %swap3A_50 = arith.constant 0 : index
    %swap3A_51 = arith.constant 0 : index
    %swap3A_52 = vector.load %arg9[%swap3A, %swap3A_50, %swap3A_51] : memref<128x50x64xf32, #tpu.memory_space<vmem>>, vector<128x50x64xf32>
    tpu.vector_store %arg9[%swap3A, %swap3A_50, %swap3A_51], %select_n3A_49 {strides = array<i32>} : memref<128x50x64xf32, #tpu.memory_space<vmem>>, vector<128x50x64xf32>,
    %get3A_53 = arith.constant 0 : index
    %get3A_54 = arith.constant 0 : index
    %get3A_55 = vector.load %arg7[%get3A_53, %get3A_54] : memref<128x51xf32, #tpu.memory_space<vmem>>, vector<128x51xf32>
    %slice3A_56 = vector.extract_strided_slice %get3A_55 {offsets = [0, 0], sizes = [128, 50], strides = [1, 1]} : vector<128x51xf32> to vector<128x50xf32>
    %slice3A_57 = vector.extract_strided_slice %get3A_55 {offsets = [0, 1], sizes = [128, 50], strides = [1, 1]} : vector<128x51xf32> to vector<128x50xf32>
    %select_n3A_58 = arith.select %lt3A, %slice3A_56, %slice3A_57 : vector<128x50xi1>, vector<128x50xf32>
    %swap3A_59 = arith.constant 0 : index
    %swap3A_60 = arith.constant 0 : index
    %swap3A_61 = vector.load %arg10[%swap3A_59, %swap3A_60] : memref<128x50xf32, #tpu.memory_space<vmem>>, vector<128x50xf32>
    tpu.vector_store %arg10[%swap3A_59, %swap3A_60], %select_n3A_58 {strides = array<i32>} : memref<128x50xf32, #tpu.memory_space<vmem>>, vector<128x50xf32>,
    %get3A_62 = arith.constant 0 : index
    %get3A_63 = arith.constant 0 : index
    %get3A_64 = vector.load %arg8[%get3A_62, %get3A_63] : memref<128x51xi32, #tpu.memory_space<vmem>>, vector<128x51xi32>
    %slice3A_65 = vector.extract_strided_slice %get3A_64 {offsets = [0, 0], sizes = [128, 50], strides = [1, 1]} : vector<128x51xi32> to vector<128x50xi32>
    %slice3A_66 = vector.extract_strided_slice %get3A_64 {offsets = [0, 1], sizes = [128, 50], strides = [1, 1]} : vector<128x51xi32> to vector<128x50xi32>
    %select_n3A_67 = arith.select %lt3A, %slice3A_65, %slice3A_66 : vector<128x50xi1>, vector<128x50xi32>
    %swap3A_68 = arith.constant 0 : index
    %swap3A_69 = arith.constant 0 : index
    %swap3A_70 = vector.load %arg11[%swap3A_68, %swap3A_69] : memref<128x50xi32, #tpu.memory_space<vmem>>, vector<128x50xi32>
    tpu.vector_store %arg11[%swap3A_68, %swap3A_69], %select_n3A_67 {strides = array<i32>} : memref<128x50xi32, #tpu.memory_space<vmem>>, vector<128x50xi32>,
    %iota3A_71 = tpu.iota {dimensions = array<i32: 1>} : vector<128x51xi32>
    %broadcast_in_dim3A_72 = vector.shape_cast %slice3A : vector<128x1xi32> to vector<128x1xi32>
    %broadcast_in_dim3A_73 = vector.broadcast %broadcast_in_dim3A_72 : vector<128x1xi32> to vector<128x51xi32>
    %eq3A_74 = arith.cmpi eq, %iota3A_71, %broadcast_in_dim3A_73 : vector<128x51xi32>
    %jit3A_75 = arith.constant 0 : i32
    %broadcast_in_dim3A_76 = vector.broadcast %jit3A_75 : i32 to vector<128x51xi32>
    %select_n3A_77 = arith.select %eq3A_74, %get3A_64, %broadcast_in_dim3A_76 : vector<128x51xi1>, vector<128x51xi32>
    %reduce_sum3A = arith.constant dense<0> : vector<128xi32>
    %reduce_sum3A_78 = vector.multi_reduction <add>, %select_n3A_77, %reduce_sum3A [1] : vector<128x51xi32> to vector<128xi32>
    %broadcast_in_dim3A_79 = vector.shape_cast %reduce_sum3A_78 : vector<128xi32> to vector<128x1xi32>
    %swap3A_80 = arith.constant 0 : index
    %swap3A_81 = arith.constant 0 : index
    %swap3A_82 = vector.load %arg12[%swap3A_80, %swap3A_81] : memref<128x1xi32, #tpu.memory_space<vmem>>, vector<128x1xi32>
    tpu.vector_store %arg12[%swap3A_80, %swap3A_81], %broadcast_in_dim3A_79 {strides = array<i32>} : memref<128x1xi32, #tpu.memory_space<vmem>>, vector<128x1xi32>,
    %reduce_sum3A_83 = vector.shape_cast %get3A_5 : vector<6528x64xf32> to vector<1x6528x64xf32>
    %reduce_sum3A_84 = arith.constant dense<0.000000e+00> : vector<1xf32>
    %reduce_sum3A_85 = vector.multi_reduction <add>, %reduce_sum3A_83, %reduce_sum3A_84 [1, 2] : vector<1x6528x64xf32> to vector<1xf32>
    %reduce_sum3A_86 = vector.shape_cast %reduce_sum3A_85 : vector<1xf32> to vector<1x1x1xf32>
    %reduce_sum3A_87 = vector.extract %reduce_sum3A_86[0, 0, 0] : f32 from vector<1x1x1xf32>
    %eq3A_88 = arith.constant 0 : i32
    %eq3A_89 = arith.cmpi eq, %arg0, %eq3A_88 : i32
    %convert_element_type3A_90 = arith.extui %eq3A_89 : i1 to i32
    %cond3A = arith.constant 0 : i32
    %cond3A_91 = arith.cmpi ne, %convert_element_type3A_90, %cond3A : i32
    scf.if %cond3A_91 {
      %broadcast_in_dim3A_106 = arith.constant 0.000000e+00 : f32
      %broadcast_in_dim3A_107 = vector.broadcast %broadcast_in_dim3A_106 : f32 to vector<1x2xf32>
      %swap3A_108 = arith.constant 0 : index
      %swap3A_109 = arith.constant 0 : index
      %swap3A_110 = vector.load %arg13[%swap3A_108, %swap3A_109] : memref<1x2xf32, #tpu.memory_space<vmem>>, vector<1x2xf32>
      tpu.vector_store %arg13[%swap3A_108, %swap3A_109], %broadcast_in_dim3A_107 {strides = array<i32>} : memref<1x2xf32, #tpu.memory_space<vmem>>, vector<1x2xf32>,
    } else {
    }
    %iota3A_92 = tpu.iota {dimensions = array<i32: 1>} : vector<1x2xi32>
    %get3A_93 = arith.constant 0 : index
    %get3A_94 = arith.constant 0 : index
    %get3A_95 = vector.load %arg13[%get3A_93, %get3A_94] : memref<1x2xf32, #tpu.memory_space<vmem>>, vector<1x2xf32>
    %eq3A_96 = arith.constant 0 : i32
    %eq3A_97 = vector.broadcast %eq3A_96 : i32 to vector<1x2xi32>
    %eq3A_98 = arith.cmpi eq, %iota3A_92, %eq3A_97 : vector<1x2xi32>
    %jit3A_99 = arith.constant 0.000000e+00 : f32
    %broadcast_in_dim3A_100 = vector.broadcast %reduce_sum3A_87 : f32 to vector<1x2xf32>
    %broadcast_in_dim3A_101 = vector.broadcast %jit3A_99 : f32 to vector<1x2xf32>
    %select_n3A_102 = arith.select %eq3A_98, %broadcast_in_dim3A_100, %broadcast_in_dim3A_101 : vector<1x2xi1>, vector<1x2xf32>
    %add3A = arith.addf %get3A_95, %select_n3A_102 : vector<1x2xf32>
    %swap3A_103 = arith.constant 0 : index
    %swap3A_104 = arith.constant 0 : index
    %swap3A_105 = vector.load %arg13[%swap3A_103, %swap3A_104] : memref<1x2xf32, #tpu.memory_space<vmem>>, vector<1x2xf32>
    tpu.vector_store %arg13[%swap3A_103, %swap3A_104], %add3A {strides = array<i32>} : memref<1x2xf32, #tpu.memory_space<vmem>>, vector<1x2xf32>,
    return
  }
  func.func @transform_0(%arg0: i32) -> (i32, i32) {
    %c0_i32 = arith.constant 0 : i32
    %c0_i32_0 = arith.constant 0 : i32
    return %arg0, %c0_i32 : i32, i32
  }
  func.func @transform_1(%arg0: i32) -> (i32, i32) {
    %c0_i32 = arith.constant 0 : i32
    %c0_i32_0 = arith.constant 0 : i32
    return %arg0, %c0_i32 : i32, i32
  }
  func.func @transform_2(%arg0: i32) -> (i32, i32) {
    %c0_i32 = arith.constant 0 : i32
    %c0_i32_0 = arith.constant 0 : i32
    %c0_i32_1 = arith.constant 0 : i32
    return %c0_i32, %c0_i32_0 : i32, i32
  }
  func.func @transform_3(%arg0: i32) -> (i32, i32) {
    %c0_i32 = arith.constant 0 : i32
    %c0_i32_0 = arith.constant 0 : i32
    %c0_i32_1 = arith.constant 0 : i32
    return %c0_i32, %c0_i32_0 : i32, i32
  }
  func.func @transform_4(%arg0: i32) -> (i32, i32, i32) {
    %c0_i32 = arith.constant 0 : i32
    %c0_i32_0 = arith.constant 0 : i32
    %c0_i32_1 = arith.constant 0 : i32
    return %arg0, %c0_i32, %c0_i32_0 : i32, i32, i32
  }
  func.func @transform_5(%arg0: i32) -> (i32, i32) {
    %c0_i32 = arith.constant 0 : i32
    %c0_i32_0 = arith.constant 0 : i32
    return %arg0, %c0_i32 : i32, i32
  }
  func.func @transform_6(%arg0: i32) -> (i32, i32) {
    %c0_i32 = arith.constant 0 : i32
    %c0_i32_0 = arith.constant 0 : i32
    return %arg0, %c0_i32 : i32, i32
  }
  func.func @transform_7(%arg0: i32) -> (i32, i32) {
    %c0_i32 = arith.constant 0 : i32
    %c0_i32_0 = arith.constant 0 : i32
    return %arg0, %c0_i32 : i32, i32
  }
  func.func @transform_8(%arg0: i32) -> (i32, i32, i32) {
    %c0_i32 = arith.constant 0 : i32
    %c0_i32_0 = arith.constant 0 : i32
    %c0_i32_1 = arith.constant 0 : i32
    return %arg0, %c0_i32, %c0_i32_0 : i32, i32, i32
  }
  func.func @transform_9(%arg0: i32) -> (i32, i32) {
    %c0_i32 = arith.constant 0 : i32
    %c0_i32_0 = arith.constant 0 : i32
    return %arg0, %c0_i32 : i32, i32
  }
  func.func @transform_10(%arg0: i32) -> (i32, i32) {
    %c0_i32 = arith.constant 0 : i32
    %c0_i32_0 = arith.constant 0 : i32
    return %arg0, %c0_i32 : i32, i32
  }
  func.func @transform_11(%arg0: i32) -> (i32, i32) {
    %c0_i32 = arith.constant 0 : i32
    %c0_i32_0 = arith.constant 0 : i32
    return %arg0, %c0_i32 : i32, i32
  }
  func.func @transform_12(%arg0: i32) -> (i32, i32) {
    %c0_i32 = arith.constant 0 : i32
    %c0_i32_0 = arith.constant 0 : i32
    %c0_i32_1 = arith.constant 0 : i32
    return %c0_i32, %c0_i32_0 : i32, i32
  }
}

module attributes {stable_mosaic.version = 14 : i64} {
  func.func @_bsum_body(%arg0: i32, %arg1: memref<1024x64xf32, #tpu.memory_space<vmem>>, %arg2: memref<1x1xf32, #tpu.memory_space<vmem>>) attributes {dimension_semantics = [#tpu.dimension_semantics<arbitrary>], iteration_bounds = array<i64: 8>, scalar_prefetch = 0 : i64, scratch_operands = 0 : i64, tpu.core_type = #tpu.core_type<tc>, window_params = [{transform_indices = @transform_0, window_bounds = array<i64: 1024, 64>}, {pipeline_mode = #tpu.pipeline_mode<synchronous>, transform_indices = @transform_1, window_bounds = array<i64: 1, 1>}]} {
    %eq3A = arith.constant 0 : i32
    %eq3A_0 = arith.cmpi eq, %arg0, %eq3A : i32
    %convert_element_type3A = arith.extui %eq3A_0 : i1 to i32
    %cond3A = arith.constant 0 : i32
    %cond3A_1 = arith.cmpi ne, %convert_element_type3A, %cond3A : i32
    scf.if %cond3A_1 {
      %broadcast_in_dim3A = arith.constant 0.000000e+00 : f32
      %broadcast_in_dim3A_14 = vector.broadcast %broadcast_in_dim3A : f32 to vector<1x1xf32>
      %swap3A_15 = arith.constant 0 : index
      %swap3A_16 = arith.constant 0 : index
      %swap3A_17 = vector.load %arg2[%swap3A_15, %swap3A_16] : memref<1x1xf32, #tpu.memory_space<vmem>>, vector<1x1xf32>
      tpu.vector_store %arg2[%swap3A_15, %swap3A_16], %broadcast_in_dim3A_14 {strides = array<i32>} : memref<1x1xf32, #tpu.memory_space<vmem>>, vector<1x1xf32>,
    } else {
    }
    %get3A = arith.constant 0 : index
    %get3A_2 = arith.constant 0 : index
    %get3A_3 = vector.load %arg2[%get3A, %get3A_2] : memref<1x1xf32, #tpu.memory_space<vmem>>, vector<1x1xf32>
    %get3A_4 = arith.constant 0 : index
    %get3A_5 = arith.constant 0 : index
    %get3A_6 = vector.load %arg1[%get3A_4, %get3A_5] : memref<1024x64xf32, #tpu.memory_space<vmem>>, vector<1024x64xf32>
    %reduce_sum3A = vector.shape_cast %get3A_6 : vector<1024x64xf32> to vector<1x1024x64xf32>
    %reduce_sum3A_7 = arith.constant dense<0.000000e+00> : vector<1xf32>
    %reduce_sum3A_8 = vector.multi_reduction <add>, %reduce_sum3A, %reduce_sum3A_7 [1, 2] : vector<1x1024x64xf32> to vector<1xf32>
    %reduce_sum3A_9 = vector.shape_cast %reduce_sum3A_8 : vector<1xf32> to vector<1x1x1xf32>
    %reduce_sum3A_10 = vector.extract %reduce_sum3A_9[0, 0, 0] : f32 from vector<1x1x1xf32>
    %add3A = vector.broadcast %reduce_sum3A_10 : f32 to vector<1x1xf32>
    %add3A_11 = arith.addf %get3A_3, %add3A : vector<1x1xf32>
    %swap3A = arith.constant 0 : index
    %swap3A_12 = arith.constant 0 : index
    %swap3A_13 = vector.load %arg2[%swap3A, %swap3A_12] : memref<1x1xf32, #tpu.memory_space<vmem>>, vector<1x1xf32>
    tpu.vector_store %arg2[%swap3A, %swap3A_12], %add3A_11 {strides = array<i32>} : memref<1x1xf32, #tpu.memory_space<vmem>>, vector<1x1xf32>,
    return
  }
  func.func @transform_0(%arg0: i32) -> (i32, i32) {
    %c0_i32 = arith.constant 0 : i32
    %c0_i32_0 = arith.constant 0 : i32
    return %arg0, %c0_i32 : i32, i32
  }
  func.func @transform_1(%arg0: i32) -> (i32, i32) {
    %c0_i32 = arith.constant 0 : i32
    %c0_i32_0 = arith.constant 0 : i32
    %c0_i32_1 = arith.constant 0 : i32
    return %c0_i32, %c0_i32_0 : i32, i32
  }
}

</mosaic_0001>

<sc_bundles>
// kernel: kernel.6.cloned.1.call-start
scs
__scs_entry_jumppad:
0x0: {  	(pc) =	sbr.rel $0x88, $3  }
0x1: {  	(tag) =	ssettag $0x0;
	lr =	simm.s32 $0x1  }
0x2: {  	[smem:$0x3F99] =	sst lr;
	_ =	strace $0xD0000000  }
0x3: {  	_ = 	snop  }
0x4: {  	_ = 	snop  }
0x5: {  	_ = 	snop  }
0x6: {  	_ = 	snop  }
0x7: {  	_ = 	snop  }
__scs_overlays_trampoline_lowered:
0x8: {  	[smem:$0x3FA8] =	sst s0  }
0x9: {  	[smem:$0x3FA9] =	sst s1  }
0xa: {  	[smem:$0x3FAA] =	sst s2  }
0xb: {  	[smem:$0x3FAB] =	sst s3  }
0xc: {  	[smem:$0x3FAC] =	sst s4  }
0xd: {  	[smem:$0x3FAD] =	sst s5  }
0xe: {  	[smem:$0x3FAE] =	sst s6  }
0xf: {  	[smem:$0x3FAF] =	sst s7  }
0x10: {  	[smem:$0x3FB0] =	sst s8  }
0x11: {  	[smem:$0x3FB1] =	sst s9;
	s0 =	simm.s32 @!p0 $0x0  }
0x12: {  	s1 =	sld [smem:$0x3F97];
	s0 =	simm.s32 @p0 $0x1  }
0x13: {  	[smem:$0x3FB2] =	sst s0;
	s0 =	simm.s32 @!p1 $0x0  }
0x14: {  	s2 =	sld [smem:$0x3F96];
	s0 =	simm.s32 @p1 $0x1  }
0x15: {  	[smem:$0x3FB3] =	sst s0;
	s0 =	simm.s32 @!p2 $0x0  }
0x16: {  	s3 =	sld [smem:$0x3FDB];
	s0 =	simm.s32 @p2 $0x1  }
0x17: {  	s4 =	simm.s32 $0x1BF5;
	[smem:$0x3FB5] =	sst s0  }
0x18: {  	s0 =	sld [smem:$0x3F98];
	_ =	swait.ge [sflag:s4], $0x0  }
0x19: {  	s7 =	sld [smem:$0x3F99]  }
0x1a: {  	s8 =	sadd.s32 $0xFFFFE003, lr  }
0x1b: {  	s9 =	sadd.s32 $0xFFFFFEF7, lr;
	s5 =	simm.s32 $0xFFFFFFFF;
	p2 =	slt.u32 s8, $0xFFFFF086  }
0x1c: {  	p1 =	slt.u32 s9, $0xF7A;
	s5 =	simm.s32 @!p2 $0x0  }
0x1d: {  	s5 =	simm.s32 @p1 $0x1;
	p0 =	seq.s32 s7, s2  }
0x1e: {  	s7 =	smul.u32 @!p0 $0xF7A, s2;
	p2 =	seq.s32 @!p0 s5, $0x0  }
0x1f: {  	s9 =	smul.u32 $0xF7A, s1;
	s8 =	simm.s32 @!p0 $0x1BF5;
	p2 =	por !p2, p0  }
0x20: {  	[sflag:s8] =	ssyncset.s32 @!p0 $0xFFFFF086;
	s6 =	sadd.s32 @!p0 s3, s7;
	s7 =	simm.s32 @!p0 $0x108  }
0x21: {  	s3 =	sadd.s32 s3, s9;
	s6 =	sadd.s32 @!p0 $0x88, s6;
	s7 =	simm.s32 @p2 $0x1082  }
0x22: {  	[simem:s7], [sflag:s8] =	dma.local @!p0 [hbm:s6], $0xF7A  }
0x23: {  	s9 =	sor.u32 $0xD0000000, s2;
	s6 =	simm.s32 $0x108;
	_ =	swait.ge @!p0 [sflag:s8], $0x0  }
0x24: {  	s3 =	sadd.s32 $0x88, s3;
	s6 =	simm.s32 @!p1 $0x1082;
	[sflag:s4] =	ssyncset.s32 $0xFFFFF086  }
0x25: {  	[simem:s6], [sflag:s4] =	dma.local [hbm:s3], $0xF7A  }
0x26: {  	[smem:$0x3F99] =	sst s1;
	(tag) =	ssettag s2;
	_ =	strace s9  }
0x27: {  	s1 =	sld [smem:$0x3FA9]  }
0x28: {  	s2 =	sld [smem:$0x3FAA]  }
0x29: {  	s4 =	sld [smem:$0x3FAC]  }
0x2a: {  	p0 =	seq.s32 s5, $0x0;
	s5 =	sld [smem:$0x3FAD]  }
0x2b: {  	s6 =	sld [smem:$0x3FAE]  }
0x2c: {  	s7 =	sld [smem:$0x3FAF]  }
0x2d: {  	s3 =	simm.s32 $0x108;
	s8 =	sld [smem:$0x3FB0]  }
0x2e: {  	s3 =	simm.s32 @!p0 $0x1082;
	s9 =	sld [smem:$0x3FB1]  }
0x2f: {  	lr =	sadd.s32 s0, s3;
	s0 =	sld [smem:$0x3FA8]  }
0x30: {  	s3 =	sld [smem:$0x3FAB]  }
0x31: {  	[smem:$0x3FB4] =	sst s10  }
0x32: {  	s10 =	sld [smem:$0x3FB2];
	_ =	sdelay $0x3  }
0x33: {  	p0 =	seq.s32 s10, $0x1;
	s10 =	sld [smem:$0x3FB4];
	_ =	sdelay $0x3  }
0x34: {  	[smem:$0x3FB4] =	sst s10  }
0x35: {  	s10 =	sld [smem:$0x3FB3];
	_ =	sdelay $0x3  }
0x36: {  	p1 =	seq.s32 s10, $0x1;
	s10 =	sld [smem:$0x3FB4];
	_ =	sdelay $0x3  }
0x37: {  	[smem:$0x3FB4] =	sst s10  }
0x38: {  	s10 =	sld [smem:$0x3FB5]  }
0x39: {  	_ = 	snop;
	(pc) =	sbr.ind lr, $3  }
0x3a: {  	_ = 	snop  }
0x3b: {  	_ = 	snop  }
0x3c: {  	p2 =	seq.s32 s10, $0x1;
	s10 =	sld [smem:$0x3FB4]  }
0x3d: {  	_ =	shalt  }
0x3e: {  	_ =	shalt  }
0x3f: {  	_ =	shalt  }
0x40: {  	_ =	shalt  }
0x41: {  	_ =	shalt  }
0x42: {  	_ =	shalt  }
0x43: {  	_ =	shalt  }
0x44: {  	_ =	shalt  }
0x45: {  	_ =	shalt  }
0x46: {  	_ =	shalt  }
0x47: {  	_ =	shalt  }
0x48: {  	_ =	shalt  }
0x49: {  	_ =	shalt  }
0x4a: {  	_ =	shalt  }
0x4b: {  	_ =	shalt  }
0x4c: {  	_ =	shalt  }
0x4d: {  	_ =	shalt  }
0x4e: {  	_ =	shalt  }
0x4f: {  	_ =	shalt  }
0x50: {  	_ =	shalt  }
0x51: {  	_ =	shalt  }
0x52: {  	_ =	shalt  }
0x53: {  	_ =	shalt  }
0x54: {  	_ =	shalt  }
0x55: {  	_ =	shalt  }
0x56: {  	_ =	shalt  }
0x57: {  	_ =	shalt  }
0x58: {  	_ =	shalt  }
0x59: {  	_ =	shalt  }
0x5a: {  	_ =	shalt  }
0x5b: {  	_ =	shalt  }
0x5c: {  	_ =	shalt  }
0x5d: {  	_ =	shalt  }
0x5e: {  	_ =	shalt  }
0x5f: {  	_ =	shalt  }
0x60: {  	_ =	shalt  }
0x61: {  	_ =	shalt  }
0x62: {  	_ =	shalt  }
0x63: {  	_ =	shalt  }
0x64: {  	_ =	shalt  }
0x65: {  	_ =	shalt  }
0x66: {  	_ =	shalt  }
0x67: {  	_ =	shalt  }
0x68: {  	_ =	shalt  }
0x69: {  	_ =	shalt  }
0x6a: {  	_ =	shalt  }
0x6b: {  	_ =	shalt  }
0x6c: {  	_ =	shalt  }
0x6d: {  	_ =	shalt  }
0x6e: {  	_ =	shalt  }
0x6f: {  	_ =	shalt  }
0x70: {  	_ =	shalt  }
0x71: {  	_ =	shalt  }
0x72: {  	_ =	shalt  }
0x73: {  	_ =	shalt  }
0x74: {  	_ =	shalt  }
0x75: {  	_ =	shalt  }
0x76: {  	_ =	shalt  }
0x77: {  	_ =	shalt  }
0x78: {  	_ =	shalt  }
0x79: {  	_ =	shalt  }
0x7a: {  	_ =	shalt  }
0x7b: {  	_ =	shalt  }
0x7c: {  	_ =	shalt  }
0x7d: {  	_ =	shalt  }
0x7e: {  	_ =	shalt  }
0x7f: {  	_ =	shalt  }
0x80: {  	_ =	shalt  }
0x81: {  	_ =	shalt  }
0x82: {  	_ =	shalt  }
0x83: {  	_ =	shalt  }
0x84: {  	_ =	shalt  }
0x85: {  	_ =	shalt  }
0x86: {  	_ =	shalt  }
0x87: {  	_ =	shalt  }
.Lfunc_end0:
.L_simem_size_0:
called_computation_lowered:
.L_overlay_start_0:
0x88: {  	s2 =	sld [smem:$0x3FD9]  }
0x89: {  	s3 =	sld [smem:$0x3FFE];
	_ =	sdelay $0x1  }
0x8a: {  	s1 =	srdreg.scid  }
0x8b: {  	s0 =	sand.u32 $0x1, s1  }
0x8c: {  	s14 =	sshll.u32 s0, $0xA;
	s2 =	sadd.s32 s3, s2  }
0x8d: {  	s2 =	sadd.s32 s2, s14  }
0x8e: {  	[smem:$0x3FC0] =	sst s2  }
0x8f: {  	_ = 	snop  }
0x90: {  	s2 =	sld [smem:$0x3FD0];
	_ =	sdelay $0x2  }
0x91: {  	s15 =	simm.s32 $0xA;
	s4 =	simm.s32 $0x10  }
0x92: {  	[smem:s4], [sflag:s15] =	dma.local [hbm:s2], $0x1  }
0x93: {  	_ =	swait.eq [sflag:s15], $0x1  }
0x94: {  	[sflag:s15] =	ssyncset.done $0x0  }
0x95: {  	[sflag:s15] =	ssyncadd.s32 $0xFFFFFFFF  }
0x96: {  	s16 =	sld [smem:$0x12];
	(tm) =	ssettm $0x1  }
0x97: {  	s17 =	sld [smem:$0x3FFB];
	_ =	sdelay $0x3  }
0x98: {  	_ =	strace s17  }
0x99: {  	s3 =	sld [smem:$0x3FFC];
	_ =	sdelay $0x3  }
0x9a: {  	_ =	strace s3  }
0x9b: {  	s3 =	sld [smem:$0x3FFD];
	_ =	sdelay $0x3  }
0x9c: {  	_ =	strace s3  }
0x9d: {  	_ =	strace $0x8FFFFFFF  }
0x9e: {  	s18 =	sld [smem:$0x3FDB];
	_ =	sdelay $0x1  }
0x9f: {  	s19 =	simm.s32 $_scs_section_size  }
0xa0: {  	s5 =	simm.s32 $_size__tile_overlayer_lowered;
	s6 =	simm.s32 $_tile_overlayer_lowered  }
0xa1: {  	s22 =	simm.s32 $0x1BFF;
	s21 =	sshll.u32 s6, $0x1;
	s3 =	sadd.s32 s19, s18  }
0xa2: {  	s7 =	simm.s32 $0x0;
	s20 =	sshll.u32 s5, $0x1;
	s5 =	sadd.s32 s21, s3  }
0xa3: {  	[timem:s7], [sflag:s22] =	dma.local [hbm:s5], s20  }
0xa4: {  	_ =	swait.ge [sflag:s22], s20  }
0xa5: {  	s4 =	ssub.s32 $0x0, s20;
	[sflag:s22] =	ssyncset.done $0x0  }
0xa6: {  	[sflag:s22] =	ssyncadd.s32 s4;
	_ =	sdelay $0x1  }
0xa7: {  	s23 =	simm.s32 $0x1B8B  }
0xa8: {  	_ =	swait.ge [sflag:s23], $0x1  }
0xa9: {  	[sflag:s23] =	ssyncset.done $0x0  }
0xaa: {  	s25 =	simm.s32 $0x1B8E;
	s24 =	sld [smem:$0x3FFE];
	[sflag:s23] =	ssyncadd.s32 $0xFFFFFFFF  }
0xab: {  	s26 =	simm.s32 $execute0_lowered;
	[smem:$0x3FD2] =	sst s25  }
0xac: {  	s5 =	sshll.u32 s26, $0x1;
	_ =	strace $0x80000046;
	[dreg:$0x1] =	wrdreg $0xFFFFFFFF  }
0xad: {  	s28 =	simm.s32 $_size_execute0_lowered;
	s3 =	sadd.s32 s3, s5;
	[dreg:$0x0] =	wrdreg $0x0  }
0xae: {  	s5 =	sshll.u32 s28, $0x1;
	[dreg:$0x2] =	wrdreg s3  }
0xaf: {  	[dreg:$0x3] =	wrdreg s5  }
0xb0: {  	[dreg:$0x4] =	wrdreg $0xC0  }
0xb1: {  	_ =	task [dreg:s7], $0x5FFFF  }
0xb2: {  	[dreg:$0x1] =	wrdreg $0xFFFFFFFF  }
0xb3: {  	[dreg:$0x0] =	wrdreg $0x60  }
0xb4: {  	[dreg:$0x2] =	wrdreg s24  }
0xb5: {  	[dreg:$0x3] =	wrdreg s16  }
0xb6: {  	[dreg:$0x4] =	wrdreg $0x9  }
0xb7: {  	_ =	task.clear_ibuf [dreg:s7], $0x5FFFF;
	_ =	strace $0x90000046  }
0xb8: {  	s29 =	simm.s32 $0x9;
	_ =	strace $0x80000048  }
0xb9: {  	_ =	swait.ge [sflag:s29], $0x1  }
0xba: {  	[sflag:s29] =	ssyncadd.s32 $0xFFFFFFFF  }
0xbb: {  	_ =	strace $0x90000048  }
0xbc: {  	_ =	sfence  }
0xbd: {  	s30 =	sld [smem:$0x0];
	_ =	sdelay $0x2  }
0xbe: {  	s31 =	sshll.u32 s1, $0xD;
	s1 =	sshrl.u32 s1, $0x2  }
0xbf: {  	s3 =	sand.u32 $0x4000, s31;
	s1 =	sadd.s32 s1, s30  }
0xc0: {  	s0 =	sor.u32 s3, s0;
	s1 =	sshll.u32 s1, $0x11  }
0xc1: {  	s0 =	sor.u32 s1, s0  }
0xc2: {  	s0 =	sadd.s32 $0x8F2B, s0  }
0xc3: {  	[sflag:s0] =	ssyncadd.remote.s32 $0x1  }
0xc4: {  	_ =	sfence.sel $0xFFFF  }
0xc5: {  	[dreg:$0x0] =	wrdreg $0xFFFFFFFF;
	(pc) =	sbr.abs _section_cstart, $3  }
0xc6: {  	[dreg:$0x1] =	wrdreg $0xFFFFFFFF  }
0xc7: {  	_ =	task.clear_ibuf [dreg:s7], $0x2FFFF;
	_ =	strace $0x9FFFFFFF  }
0xc8: {  	(tm) =	ssettm $0x7FFFFFFF  }
0xc9: {  	_ =	shalt  }
tec
execute0_lowered:
.L_overlay_start_1:
0x0: {  	(tag) =	ssettag $0x1  }
0x1: {  	s1 =	srdreg.scid;
	s0 =	stileid.u32  }
0x2: {  	s9 =	rddreg [dreg:$0x0];
	s21 =	sand.u32 $0x1, s1;
	s31 =	sshll.u32 s0, $0x1  }
0x3: {  	s3 =	rddreg [dreg:$0x1];
	s10 =	sor.u32 s21, s31  }
0x4: {  	s2 =	simm.s32 $0x0;
	s1 =	rddreg [dreg:$0x2];
	s4 =	smul.u32 $0x660, s10  }
0x5: {  	[smem:$0x7FF] =	sst s2  }
0x6: {  	_ =	strace $0x80000047;
	s4 =	sadd.s32 s3, s4;
	s3 =	simm.s32 $0x2  }
0x7: {  	[tilespmem:s2], [sflag:$0x2] =	stream.linear.gather [hbm4b:s4+s2], $0x3300, $0x38;
	[tilespmem:$0x1CB00] =	vst v63  }
0x8: {  	_ =	swait.ge [sflag:s3], $0x3300  }
0x9: {  	s6 =	simm.s32 $0x660;
	s7 =	simm.s32 $0x3300;
	[sflag:s3] =	ssyncset.done $0x0  }
0xa: {  	s8 =	simm.s32 $0x1;
	s5 =	sadd.s32 $0x21A00, s9;
	[sflag:s3] =	ssyncadd.s32 $0xFFFFCD00  }
0xb: {  	[tilespmem:s7], [sflag:$0x1] =	stream.indirect.gather [hbm4b:s5+s6], $0x40, s2, s6, $0xb8;
	[tilespmem:$0x1CB00] =	vst v63  }
0xc: {  	s11 =	smul.u32 $0x19800, s10;
	_ =	swait.ge [sflag:s8], $0x19800  }
0xd: {  	s12 =	sadd.s32 $0xE5000, s9;
	[sflag:s8] =	ssyncset.done $0x0  }
0xe: {  	s9 =	sadd.s32 s12, s11;
	[sflag:s8] =	ssyncadd.s32 $0xFFFE6800  }
0xf: {  	[hbm4b:s9+s2] =	stream.linear.scatter [tilespmem:s7], [sflag:$0x2], $0x19800, $0x38;
	[tilespmem:$0x1CB00] =	vst v63  }
0x10: {  	_ =	swait.ge [sflag:s3], $0x19800  }
0x11: {  	[sflag:s3] =	ssyncset.done $0x0  }
0x12: {  	s10 =	smul.u32 $0xCC000, s10;
	[sflag:s3] =	ssyncadd.s32 $0xFFFE6800  }
0x13: {  	[tilespmem:s7], [sflag:$0x1] =	stream.indirect.gather [hbm4b:s5+s6], $0x40, s6, s6, $0xb8;
	[tilespmem:$0x1CB00] =	vst v63  }
0x14: {  	s10 =	sshrl.u32 s10, $0x3;
	_ =	swait.ge [sflag:s8], $0x19800  }
0x15: {  	s22 =	sadd.s32 s12, s10;
	[sflag:s8] =	ssyncset.done $0x0  }
0x16: {  	s10 =	sadd.s32 $0x3300, s22;
	[sflag:s8] =	ssyncadd.s32 $0xFFFE6800  }
0x17: {  	[hbm4b:s10+s2] =	stream.linear.scatter [tilespmem:s7], [sflag:$0x2], $0x19800, $0x38;
	[tilespmem:$0x1CB00] =	vst v63  }
0x18: {  	_ =	swait.ge [sflag:s3], $0x19800  }
0x19: {  	[sflag:s3] =	ssyncset.done $0x0  }
0x1a: {  	s11 =	simm.s32 $0xCC0;
	[sflag:s3] =	ssyncadd.s32 $0xFFFE6800  }
0x1b: {  	[tilespmem:s7], [sflag:$0x1] =	stream.indirect.gather [hbm4b:s5+s6], $0x40, s11, s6, $0xb8;
	[tilespmem:$0x1CB00] =	vst v63  }
0x1c: {  	_ =	swait.ge [sflag:s8], $0x19800  }
0x1d: {  	[sflag:s8] =	ssyncset.done $0x0  }
0x1e: {  	s12 =	sadd.s32 $0x6600, s22;
	[sflag:s8] =	ssyncadd.s32 $0xFFFE6800  }
0x1f: {  	[hbm4b:s12+s2] =	stream.linear.scatter [tilespmem:s7], [sflag:$0x2], $0x19800, $0x38;
	[tilespmem:$0x1CB00] =	vst v63  }
0x20: {  	_ =	swait.ge [sflag:s3], $0x19800  }
0x21: {  	[sflag:s3] =	ssyncset.done $0x0  }
0x22: {  	s13 =	simm.s32 $0x1320;
	[sflag:s3] =	ssyncadd.s32 $0xFFFE6800  }
0x23: {  	[tilespmem:s7], [sflag:$0x1] =	stream.indirect.gather [hbm4b:s5+s6], $0x40, s13, s6, $0xb8;
	[tilespmem:$0x1CB00] =	vst v63  }
0x24: {  	_ =	swait.ge [sflag:s8], $0x19800  }
0x25: {  	[sflag:s8] =	ssyncset.done $0x0  }
0x26: {  	s14 =	sadd.s32 $0x9900, s22;
	[sflag:s8] =	ssyncadd.s32 $0xFFFE6800  }
0x27: {  	[hbm4b:s14+s2] =	stream.linear.scatter [tilespmem:s7], [sflag:$0x2], $0x19800, $0x38;
	[tilespmem:$0x1CB00] =	vst v63  }
0x28: {  	_ =	swait.ge [sflag:s3], $0x19800  }
0x29: {  	[sflag:s3] =	ssyncset.done $0x0  }
0x2a: {  	s15 =	simm.s32 $0x1980;
	[sflag:s3] =	ssyncadd.s32 $0xFFFE6800  }
0x2b: {  	[tilespmem:s7], [sflag:$0x1] =	stream.indirect.gather [hbm4b:s5+s6], $0x40, s15, s6, $0xb8;
	[tilespmem:$0x1CB00] =	vst v63  }
0x2c: {  	_ =	swait.ge [sflag:s8], $0x19800  }
0x2d: {  	[sflag:s8] =	ssyncset.done $0x0  }
0x2e: {  	s16 =	sadd.s32 $0xCC00, s22;
	[sflag:s8] =	ssyncadd.s32 $0xFFFE6800  }
0x2f: {  	[hbm4b:s16+s2] =	stream.linear.scatter [tilespmem:s7], [sflag:$0x2], $0x19800, $0x38;
	[tilespmem:$0x1CB00] =	vst v63  }
0x30: {  	_ =	swait.ge [sflag:s3], $0x19800  }
0x31: {  	[sflag:s3] =	ssyncset.done $0x0  }
0x32: {  	s17 =	simm.s32 $0x1FE0;
	[sflag:s3] =	ssyncadd.s32 $0xFFFE6800  }
0x33: {  	[tilespmem:s7], [sflag:$0x1] =	stream.indirect.gather [hbm4b:s5+s6], $0x40, s17, s6, $0xb8;
	[tilespmem:$0x1CB00] =	vst v63  }
0x34: {  	_ =	swait.ge [sflag:s8], $0x19800  }
0x35: {  	[sflag:s8] =	ssyncset.done $0x0  }
0x36: {  	s18 =	sadd.s32 $0xFF00, s22;
	[sflag:s8] =	ssyncadd.s32 $0xFFFE6800  }
0x37: {  	[hbm4b:s18+s2] =	stream.linear.scatter [tilespmem:s7], [sflag:$0x2], $0x19800, $0x38;
	[tilespmem:$0x1CB00] =	vst v63  }
0x38: {  	_ =	swait.ge [sflag:s3], $0x19800  }
0x39: {  	[sflag:s3] =	ssyncset.done $0x0  }
0x3a: {  	s19 =	simm.s32 $0x2640;
	[sflag:s3] =	ssyncadd.s32 $0xFFFE6800  }
0x3b: {  	[tilespmem:s7], [sflag:$0x1] =	stream.indirect.gather [hbm4b:s5+s6], $0x40, s19, s6, $0xb8;
	[tilespmem:$0x1CB00] =	vst v63  }
0x3c: {  	_ =	swait.ge [sflag:s8], $0x19800  }
0x3d: {  	[sflag:s8] =	ssyncset.done $0x0  }
0x3e: {  	s23 =	ssub.s32 $0x2, s21;
	s20 =	sadd.s32 $0x13200, s22;
	[sflag:s8] =	ssyncadd.s32 $0xFFFE6800  }
0x3f: {  	[hbm4b:s20+s2] =	stream.linear.scatter [tilespmem:s7], [sflag:$0x2], $0x19800, $0x38;
	[tilespmem:$0x1CB00] =	vst v63  }
0x40: {  	s24 =	sshrl.u32 s23, $0x1;
	_ =	swait.ge [sflag:s3], $0x19800  }
0x41: {  	s23 =	ssub.s32 s23, s24;
	[sflag:s3] =	ssyncset.done $0x0  }
0x42: {  	s21 =	simm.s32 $0x2CA0;
	s23 =	smax.u32 s23, $0x1;
	[sflag:s3] =	ssyncadd.s32 $0xFFFE6800  }
0x43: {  	[tilespmem:s7], [sflag:$0x1] =	stream.indirect.gather [hbm4b:s5+s6], $0x40, s21, s6, $0xb8;
	[tilespmem:$0x1CB00] =	vst v63  }
0x44: {  	p0 =	sne.s32 s23, $0x1;
	_ =	swait.ge [sflag:s8], $0x19800  }
.Ltmp0:
0x45: {  	[sflag:s8] =	ssyncset.done $0x0;
	(pc) =	sbr.rel @!p0 .LBB2_2-.Ltmp0, $4  }
0x46: {  	s22 =	sadd.s32 $0x16500, s22;
	[sflag:s8] =	ssyncadd.s32 $0xFFFE6800  }
0x47: {  	[hbm4b:s22+s2] =	stream.linear.scatter [tilespmem:s7], [sflag:$0x2], $0x19800, $0x38;
	[tilespmem:$0x1CB00] =	vst v63  }
0x48: {  	_ =	swait.ge [sflag:s3], $0x19800  }
0x49: {  	s23 =	sadd.s32 $0xFFFFFFFF, s23;
	[sflag:s3] =	ssyncset.done $0x0  }
.LBB2_1:
0x4a: {  	p0 =	sne.s32 s23, $0x1;
	s23 =	sadd.s32 $0xFFFFFFFF, s23;
	[sflag:s3] =	ssyncadd.s32 $0xFFFE6800  }
0x4b: {  	[tilespmem:s2], [sflag:$0x2] =	stream.linear.gather [hbm4b:s4+s2], $0x3300, $0x38;
	[tilespmem:$0x1CB00] =	vst v63  }
0x4c: {  	_ =	swait.ge [sflag:s3], $0x3300  }
0x4d: {  	[sflag:s3] =	ssyncset.done $0x0  }
0x4e: {  	[sflag:s3] =	ssyncadd.s32 $0xFFFFCD00  }
0x4f: {  	[tilespmem:s7], [sflag:$0x1] =	stream.indirect.gather [hbm4b:s5+s6], $0x40, s2, s6, $0xb8;
	[tilespmem:$0x1CB00] =	vst v63  }
0x50: {  	_ =	swait.ge [sflag:s8], $0x19800  }
0x51: {  	[sflag:s8] =	ssyncset.done $0x0  }
0x52: {  	[sflag:s8] =	ssyncadd.s32 $0xFFFE6800  }
0x53: {  	[hbm4b:s9+s2] =	stream.linear.scatter [tilespmem:s7], [sflag:$0x2], $0x19800, $0x38;
	[tilespmem:$0x1CB00] =	vst v63  }
0x54: {  	_ =	swait.ge [sflag:s3], $0x19800  }
0x55: {  	[sflag:s3] =	ssyncset.done $0x0  }
0x56: {  	[sflag:s3] =	ssyncadd.s32 $0xFFFE6800  }
0x57: {  	[tilespmem:s7], [sflag:$0x1] =	stream.indirect.gather [hbm4b:s5+s6], $0x40, s6, s6, $0xb8;
	[tilespmem:$0x1CB00] =	vst v63  }
0x58: {  	_ =	swait.ge [sflag:s8], $0x19800  }
0x59: {  	[sflag:s8] =	ssyncset.done $0x0  }
0x5a: {  	[sflag:s8] =	ssyncadd.s32 $0xFFFE6800  }
0x5b: {  	[hbm4b:s10+s2] =	stream.linear.scatter [tilespmem:s7], [sflag:$0x2], $0x19800, $0x38;
	[tilespmem:$0x1CB00] =	vst v63  }
0x5c: {  	_ =	swait.ge [sflag:s3], $0x19800  }
0x5d: {  	[sflag:s3] =	ssyncset.done $0x0  }
0x5e: {  	[sflag:s3] =	ssyncadd.s32 $0xFFFE6800  }
0x5f: {  	[tilespmem:s7], [sflag:$0x1] =	stream.indirect.gather [hbm4b:s5+s6], $0x40, s11, s6, $0xb8;
	[tilespmem:$0x1CB00] =	vst v63  }
0x60: {  	_ =	swait.ge [sflag:s8], $0x19800  }
0x61: {  	[sflag:s8] =	ssyncset.done $0x0  }
0x62: {  	[sflag:s8] =	ssyncadd.s32 $0xFFFE6800  }
0x63: {  	[hbm4b:s12+s2] =	stream.linear.scatter [tilespmem:s7], [sflag:$0x2], $0x19800, $0x38;
	[tilespmem:$0x1CB00] =	vst v63  }
0x64: {  	_ =	swait.ge [sflag:s3], $0x19800  }
0x65: {  	[sflag:s3] =	ssyncset.done $0x0  }
0x66: {  	[sflag:s3] =	ssyncadd.s32 $0xFFFE6800  }
0x67: {  	[tilespmem:s7], [sflag:$0x1] =	stream.indirect.gather [hbm4b:s5+s6], $0x40, s13, s6, $0xb8;
	[tilespmem:$0x1CB00] =	vst v63  }
0x68: {  	_ =	swait.ge [sflag:s8], $0x19800  }
0x69: {  	[sflag:s8] =	ssyncset.done $0x0  }
0x6a: {  	[sflag:s8] =	ssyncadd.s32 $0xFFFE6800  }
0x6b: {  	[hbm4b:s14+s2] =	stream.linear.scatter [tilespmem:s7], [sflag:$0x2], $0x19800, $0x38;
	[tilespmem:$0x1CB00] =	vst v63  }
0x6c: {  	_ =	swait.ge [sflag:s3], $0x19800  }
0x6d: {  	[sflag:s3] =	ssyncset.done $0x0  }
0x6e: {  	[sflag:s3] =	ssyncadd.s32 $0xFFFE6800  }
0x6f: {  	[tilespmem:s7], [sflag:$0x1] =	stream.indirect.gather [hbm4b:s5+s6], $0x40, s15, s6, $0xb8;
	[tilespmem:$0x1CB00] =	vst v63  }
0x70: {  	_ =	swait.ge [sflag:s8], $0x19800  }
0x71: {  	[sflag:s8] =	ssyncset.done $0x0  }
0x72: {  	[sflag:s8] =	ssyncadd.s32 $0xFFFE6800  }
0x73: {  	[hbm4b:s16+s2] =	stream.linear.scatter [tilespmem:s7], [sflag:$0x2], $0x19800, $0x38;
	[tilespmem:$0x1CB00] =	vst v63  }
0x74: {  	_ =	swait.ge [sflag:s3], $0x19800  }
0x75: {  	[sflag:s3] =	ssyncset.done $0x0  }
0x76: {  	[sflag:s3] =	ssyncadd.s32 $0xFFFE6800  }
0x77: {  	[tilespmem:s7], [sflag:$0x1] =	stream.indirect.gather [hbm4b:s5+s6], $0x40, s17, s6, $0xb8;
	[tilespmem:$0x1CB00] =	vst v63  }
0x78: {  	_ =	swait.ge [sflag:s8], $0x19800  }
0x79: {  	[sflag:s8] =	ssyncset.done $0x0  }
0x7a: {  	[sflag:s8] =	ssyncadd.s32 $0xFFFE6800  }
0x7b: {  	[hbm4b:s18+s2] =	stream.linear.scatter [tilespmem:s7], [sflag:$0x2], $0x19800, $0x38;
	[tilespmem:$0x1CB00] =	vst v63  }
0x7c: {  	_ =	swait.ge [sflag:s3], $0x19800  }
0x7d: {  	[sflag:s3] =	ssyncset.done $0x0  }
0x7e: {  	[sflag:s3] =	ssyncadd.s32 $0xFFFE6800  }
0x7f: {  	[tilespmem:s7], [sflag:$0x1] =	stream.indirect.gather [hbm4b:s5+s6], $0x40, s19, s6, $0xb8;
	[tilespmem:$0x1CB00] =	vst v63  }
0x80: {  	_ =	swait.ge [sflag:s8], $0x19800  }
0x81: {  	[sflag:s8] =	ssyncset.done $0x0  }
0x82: {  	[sflag:s8] =	ssyncadd.s32 $0xFFFE6800  }
0x83: {  	[hbm4b:s20+s2] =	stream.linear.scatter [tilespmem:s7], [sflag:$0x2], $0x19800, $0x38;
	[tilespmem:$0x1CB00] =	vst v63  }
0x84: {  	_ =	swait.ge [sflag:s3], $0x19800  }
0x85: {  	[sflag:s3] =	ssyncset.done $0x0  }
0x86: {  	[sflag:s3] =	ssyncadd.s32 $0xFFFE6800  }
0x87: {  	[tilespmem:s7], [sflag:$0x1] =	stream.indirect.gather [hbm4b:s5+s6], $0x40, s21, s6, $0xb8;
	[tilespmem:$0x1CB00] =	vst v63  }
0x88: {  	_ =	swait.ge [sflag:s8], $0x19800  }
.Ltmp1:
0x89: {  	[sflag:s8] =	ssyncset.done $0x0;
	(pc) =	sbr.rel @p0 .LBB2_1-.Ltmp1, $4  }
0x8a: {  	[sflag:s8] =	ssyncadd.s32 $0xFFFE6800  }
0x8b: {  	[hbm4b:s22+s2] =	stream.linear.scatter [tilespmem:s7], [sflag:$0x2], $0x19800, $0x38;
	[tilespmem:$0x1CB00] =	vst v63  }
0x8c: {  	_ =	swait.ge [sflag:s3], $0x19800  }
0x8d: {  	[sflag:s3] =	ssyncset.done $0x0  }
.LBB2_2:
0x8e: {  	[sflag:s3] =	ssyncadd.s32 $0xFFFE6800  }
0x8f: {  	_ =	sfence.sel $0x180000  }
0x90: {  	[bflag:$0x0] =	sbarrier.arrive $0xFFFF  }
0x91: {  	p0 =	sne.s32 s0, $0x0;
	_ =	strace $0x90000047  }
0x92: {  	s0 =	sadd.s32 @!p0 $0x100000, s1;
	[bflag:$0x2] =	sbarrier.arrive $0xFFFF  }
0x93: {  	[sflag:s0] =	ssyncadd.tile.s32 @!p0 $0x1;
	_ =	shalt  }
.Lfunc_end2:
_tile_overlayer_lowered:
.L_overlay_start_2:
0x94: {  	(tag) =	ssettag $0x2  }
0x95: {  	s0 =	rddreg [dreg:$0x0];
	s2 =	stileid.u32  }
0x96: {  	s1 =	rddreg [dreg:$0x1];
	p0 =	sne.s32 s2, $0x0  }
0x97: {  	s3 =	rddreg [dreg:$0x2];
	[bflag:$0x3] =	sbarrier.arrive $0xFFFF;
	s2 =	simm.s32 @!p0 $0x1C02  }
0x98: {  	[timem:s3], [sflag:s2] =	dma.local @!p0 [hbm:s0], s1  }
0x99: {  	s0 =	simm.s32 @!p0 $0x2  }
0x9a: {  	_ =	swait.ge @!p0 [sflag:s0], s1  }
0x9b: {  	s1 =	ssub.s32 @!p0 $0x0, s1;
	[sflag:s0] =	ssyncset.done @!p0 $0x0  }
0x9c: {  	[sflag:s0] =	ssyncadd.s32 @!p0 s1  }
0x9d: {  	[bflag:$0x3] =	sbarrier.arrive $0xFFFF  }
0x9e: {  	_ =	shalt  }

// kernel: kernel.9.cloned.1.call-start
scs
__scs_entry_jumppad:
0x0: {  	(pc) =	sbr.rel $0x88, $3  }
0x1: {  	(tag) =	ssettag $0x0;
	lr =	simm.s32 $0x1  }
0x2: {  	[smem:$0x3F99] =	sst lr;
	_ =	strace $0xD0000000  }
0x3: {  	_ = 	snop  }
0x4: {  	_ = 	snop  }
0x5: {  	_ = 	snop  }
0x6: {  	_ = 	snop  }
0x7: {  	_ = 	snop  }
__scs_overlays_trampoline_lowered:
0x8: {  	[smem:$0x3FA8] =	sst s0  }
0x9: {  	[smem:$0x3FA9] =	sst s1  }
0xa: {  	[smem:$0x3FAA] =	sst s2  }
0xb: {  	[smem:$0x3FAB] =	sst s3  }
0xc: {  	[smem:$0x3FAC] =	sst s4  }
0xd: {  	[smem:$0x3FAD] =	sst s5  }
0xe: {  	[smem:$0x3FAE] =	sst s6  }
0xf: {  	[smem:$0x3FAF] =	sst s7  }
0x10: {  	[smem:$0x3FB0] =	sst s8  }
0x11: {  	[smem:$0x3FB1] =	sst s9;
	s0 =	simm.s32 @!p0 $0x0  }
0x12: {  	s1 =	sld [smem:$0x3F97];
	s0 =	simm.s32 @p0 $0x1  }
0x13: {  	[smem:$0x3FB2] =	sst s0;
	s0 =	simm.s32 @!p1 $0x0  }
0x14: {  	s2 =	sld [smem:$0x3F96];
	s0 =	simm.s32 @p1 $0x1  }
0x15: {  	[smem:$0x3FB3] =	sst s0;
	s0 =	simm.s32 @!p2 $0x0  }
0x16: {  	s3 =	sld [smem:$0x3FDB];
	s0 =	simm.s32 @p2 $0x1  }
0x17: {  	s4 =	simm.s32 $0x1BF5;
	[smem:$0x3FB5] =	sst s0  }
0x18: {  	s0 =	sld [smem:$0x3F98];
	_ =	swait.ge [sflag:s4], $0x0  }
0x19: {  	s7 =	sld [smem:$0x3F99]  }
0x1a: {  	s8 =	sadd.s32 $0xFFFFE003, lr  }
0x1b: {  	s9 =	sadd.s32 $0xFFFFFEF7, lr;
	s5 =	simm.s32 $0xFFFFFFFF;
	p2 =	slt.u32 s8, $0xFFFFF086  }
0x1c: {  	p1 =	slt.u32 s9, $0xF7A;
	s5 =	simm.s32 @!p2 $0x0  }
0x1d: {  	s5 =	simm.s32 @p1 $0x1;
	p0 =	seq.s32 s7, s2  }
0x1e: {  	s7 =	smul.u32 @!p0 $0xF7A, s2;
	p2 =	seq.s32 @!p0 s5, $0x0  }
0x1f: {  	s9 =	smul.u32 $0xF7A, s1;
	s8 =	simm.s32 @!p0 $0x1BF5;
	p2 =	por !p2, p0  }
0x20: {  	[sflag:s8] =	ssyncset.s32 @!p0 $0xFFFFF086;
	s6 =	sadd.s32 @!p0 s3, s7;
	s7 =	simm.s32 @!p0 $0x108  }
0x21: {  	s3 =	sadd.s32 s3, s9;
	s6 =	sadd.s32 @!p0 $0x88, s6;
	s7 =	simm.s32 @p2 $0x1082  }
0x22: {  	[simem:s7], [sflag:s8] =	dma.local @!p0 [hbm:s6], $0xF7A  }
0x23: {  	s9 =	sor.u32 $0xD0000000, s2;
	s6 =	simm.s32 $0x108;
	_ =	swait.ge @!p0 [sflag:s8], $0x0  }
0x24: {  	s3 =	sadd.s32 $0x88, s3;
	s6 =	simm.s32 @!p1 $0x1082;
	[sflag:s4] =	ssyncset.s32 $0xFFFFF086  }
0x25: {  	[simem:s6], [sflag:s4] =	dma.local [hbm:s3], $0xF7A  }
0x26: {  	[smem:$0x3F99] =	sst s1;
	(tag) =	ssettag s2;
	_ =	strace s9  }
0x27: {  	s1 =	sld [smem:$0x3FA9]  }
0x28: {  	s2 =	sld [smem:$0x3FAA]  }
0x29: {  	s4 =	sld [smem:$0x3FAC]  }
0x2a: {  	p0 =	seq.s32 s5, $0x0;
	s5 =	sld [smem:$0x3FAD]  }
0x2b: {  	s6 =	sld [smem:$0x3FAE]  }
0x2c: {  	s7 =	sld [smem:$0x3FAF]  }
0x2d: {  	s3 =	simm.s32 $0x108;
	s8 =	sld [smem:$0x3FB0]  }
0x2e: {  	s3 =	simm.s32 @!p0 $0x1082;
	s9 =	sld [smem:$0x3FB1]  }
0x2f: {  	lr =	sadd.s32 s0, s3;
	s0 =	sld [smem:$0x3FA8]  }
0x30: {  	s3 =	sld [smem:$0x3FAB]  }
0x31: {  	[smem:$0x3FB4] =	sst s10  }
0x32: {  	s10 =	sld [smem:$0x3FB2];
	_ =	sdelay $0x3  }
0x33: {  	p0 =	seq.s32 s10, $0x1;
	s10 =	sld [smem:$0x3FB4];
	_ =	sdelay $0x3  }
0x34: {  	[smem:$0x3FB4] =	sst s10  }
0x35: {  	s10 =	sld [smem:$0x3FB3];
	_ =	sdelay $0x3  }
0x36: {  	p1 =	seq.s32 s10, $0x1;
	s10 =	sld [smem:$0x3FB4];
	_ =	sdelay $0x3  }
0x37: {  	[smem:$0x3FB4] =	sst s10  }
0x38: {  	s10 =	sld [smem:$0x3FB5]  }
0x39: {  	_ = 	snop;
	(pc) =	sbr.ind lr, $3  }
0x3a: {  	_ = 	snop  }
0x3b: {  	_ = 	snop  }
0x3c: {  	p2 =	seq.s32 s10, $0x1;
	s10 =	sld [smem:$0x3FB4]  }
0x3d: {  	_ =	shalt  }
0x3e: {  	_ =	shalt  }
0x3f: {  	_ =	shalt  }
0x40: {  	_ =	shalt  }
0x41: {  	_ =	shalt  }
0x42: {  	_ =	shalt  }
0x43: {  	_ =	shalt  }
0x44: {  	_ =	shalt  }
0x45: {  	_ =	shalt  }
0x46: {  	_ =	shalt  }
0x47: {  	_ =	shalt  }
0x48: {  	_ =	shalt  }
0x49: {  	_ =	shalt  }
0x4a: {  	_ =	shalt  }
0x4b: {  	_ =	shalt  }
0x4c: {  	_ =	shalt  }
0x4d: {  	_ =	shalt  }
0x4e: {  	_ =	shalt  }
0x4f: {  	_ =	shalt  }
0x50: {  	_ =	shalt  }
0x51: {  	_ =	shalt  }
0x52: {  	_ =	shalt  }
0x53: {  	_ =	shalt  }
0x54: {  	_ =	shalt  }
0x55: {  	_ =	shalt  }
0x56: {  	_ =	shalt  }
0x57: {  	_ =	shalt  }
0x58: {  	_ =	shalt  }
0x59: {  	_ =	shalt  }
0x5a: {  	_ =	shalt  }
0x5b: {  	_ =	shalt  }
0x5c: {  	_ =	shalt  }
0x5d: {  	_ =	shalt  }
0x5e: {  	_ =	shalt  }
0x5f: {  	_ =	shalt  }
0x60: {  	_ =	shalt  }
0x61: {  	_ =	shalt  }
0x62: {  	_ =	shalt  }
0x63: {  	_ =	shalt  }
0x64: {  	_ =	shalt  }
0x65: {  	_ =	shalt  }
0x66: {  	_ =	shalt  }
0x67: {  	_ =	shalt  }
0x68: {  	_ =	shalt  }
0x69: {  	_ =	shalt  }
0x6a: {  	_ =	shalt  }
0x6b: {  	_ =	shalt  }
0x6c: {  	_ =	shalt  }
0x6d: {  	_ =	shalt  }
0x6e: {  	_ =	shalt  }
0x6f: {  	_ =	shalt  }
0x70: {  	_ =	shalt  }
0x71: {  	_ =	shalt  }
0x72: {  	_ =	shalt  }
0x73: {  	_ =	shalt  }
0x74: {  	_ =	shalt  }
0x75: {  	_ =	shalt  }
0x76: {  	_ =	shalt  }
0x77: {  	_ =	shalt  }
0x78: {  	_ =	shalt  }
0x79: {  	_ =	shalt  }
0x7a: {  	_ =	shalt  }
0x7b: {  	_ =	shalt  }
0x7c: {  	_ =	shalt  }
0x7d: {  	_ =	shalt  }
0x7e: {  	_ =	shalt  }
0x7f: {  	_ =	shalt  }
0x80: {  	_ =	shalt  }
0x81: {  	_ =	shalt  }
0x82: {  	_ =	shalt  }
0x83: {  	_ =	shalt  }
0x84: {  	_ =	shalt  }
0x85: {  	_ =	shalt  }
0x86: {  	_ =	shalt  }
0x87: {  	_ =	shalt  }
.Lfunc_end0:
.L_simem_size_0:
called_computation.1_lowered:
.L_overlay_start_0:
0x88: {  	s2 =	sld [smem:$0x3FD9]  }
0x89: {  	s3 =	sld [smem:$0x3FFE];
	_ =	sdelay $0x1  }
0x8a: {  	s1 =	srdreg.scid  }
0x8b: {  	s0 =	sand.u32 $0x1, s1  }
0x8c: {  	s16 =	sshll.u32 s0, $0xA;
	s2 =	sadd.s32 s3, s2  }
0x8d: {  	s2 =	sadd.s32 s2, s16  }
0x8e: {  	[smem:$0x3FC0] =	sst s2  }
0x8f: {  	_ = 	snop  }
0x90: {  	(tm) =	ssettm $0x1  }
0x91: {  	s17 =	sld [smem:$0x3FFB];
	_ =	sdelay $0x3  }
0x92: {  	_ =	strace s17  }
0x93: {  	s2 =	sld [smem:$0x3FFC];
	_ =	sdelay $0x3  }
0x94: {  	_ =	strace s2  }
0x95: {  	s2 =	sld [smem:$0x3FFD];
	_ =	sdelay $0x3  }
0x96: {  	_ =	strace s2  }
0x97: {  	_ =	strace $0x8FFFFFFF  }
0x98: {  	s18 =	sld [smem:$0x3FDB];
	_ =	sdelay $0x1  }
0x99: {  	s19 =	simm.s32 $_scs_section_size  }
0x9a: {  	s4 =	simm.s32 $_size__tile_overlayer_lowered;
	s5 =	simm.s32 $_tile_overlayer_lowered  }
0x9b: {  	s22 =	simm.s32 $0x1BFF;
	s21 =	sshll.u32 s5, $0x1;
	s2 =	sadd.s32 s19, s18  }
0x9c: {  	s6 =	simm.s32 $0x0;
	s20 =	sshll.u32 s4, $0x1;
	s4 =	sadd.s32 s21, s2  }
0x9d: {  	[timem:s6], [sflag:s22] =	dma.local [hbm:s4], s20  }
0x9e: {  	_ =	swait.ge [sflag:s22], s20  }
0x9f: {  	s3 =	ssub.s32 $0x0, s20;
	[sflag:s22] =	ssyncset.done $0x0  }
0xa0: {  	[sflag:s22] =	ssyncadd.s32 s3;
	_ =	sdelay $0x1  }
0xa1: {  	s23 =	simm.s32 $0x1B8B  }
0xa2: {  	_ =	swait.ge [sflag:s23], $0x1  }
0xa3: {  	[sflag:s23] =	ssyncset.done $0x0  }
0xa4: {  	s25 =	simm.s32 $0x1B8E;
	s24 =	sld [smem:$0x3FFE];
	[sflag:s23] =	ssyncadd.s32 $0xFFFFFFFF  }
0xa5: {  	s26 =	simm.s32 $execute0_lowered;
	[smem:$0x3FD2] =	sst s25  }
0xa6: {  	s4 =	sshll.u32 s26, $0x1;
	_ =	strace $0x80000049;
	[dreg:$0x1] =	wrdreg $0xFFFFFFFF  }
0xa7: {  	s28 =	simm.s32 $_size_execute0_lowered;
	s2 =	sadd.s32 s2, s4;
	[dreg:$0x0] =	wrdreg $0x0  }
0xa8: {  	s4 =	sshll.u32 s28, $0x1;
	[dreg:$0x2] =	wrdreg s2  }
0xa9: {  	[dreg:$0x3] =	wrdreg s4  }
0xaa: {  	[dreg:$0x4] =	wrdreg $0xC0  }
0xab: {  	_ =	task [dreg:s6], $0x5FFFF  }
0xac: {  	[dreg:$0x1] =	wrdreg $0xFFFFFFFF  }
0xad: {  	[dreg:$0x0] =	wrdreg $0x60  }
0xae: {  	[dreg:$0x2] =	wrdreg s24  }
0xaf: {  	[dreg:$0x3] =	wrdreg $0x9  }
0xb0: {  	_ =	task.clear_ibuf [dreg:s6], $0x4FFFF;
	_ =	strace $0x90000049  }
0xb1: {  	s29 =	simm.s32 $0x9;
	_ =	strace $0x8000004B  }
0xb2: {  	_ =	swait.ge [sflag:s29], $0x1  }
0xb3: {  	[sflag:s29] =	ssyncadd.s32 $0xFFFFFFFF  }
0xb4: {  	_ =	strace $0x9000004B  }
0xb5: {  	_ =	sfence  }
0xb6: {  	s30 =	sld [smem:$0x0];
	_ =	sdelay $0x2  }
0xb7: {  	s31 =	sshll.u32 s1, $0xD;
	s1 =	sshrl.u32 s1, $0x2  }
0xb8: {  	s3 =	sand.u32 $0x4000, s31;
	s1 =	sadd.s32 s1, s30  }
0xb9: {  	s0 =	sor.u32 s3, s0;
	s1 =	sshll.u32 s1, $0x11  }
0xba: {  	s0 =	sor.u32 s1, s0  }
0xbb: {  	s0 =	sadd.s32 $0x8F2B, s0  }
0xbc: {  	[sflag:s0] =	ssyncadd.remote.s32 $0x1  }
0xbd: {  	_ =	sfence.sel $0xFFFF  }
0xbe: {  	[dreg:$0x0] =	wrdreg $0xFFFFFFFF;
	(pc) =	sbr.abs _section_cstart, $3  }
0xbf: {  	[dreg:$0x1] =	wrdreg $0xFFFFFFFF  }
0xc0: {  	_ =	task.clear_ibuf [dreg:s6], $0x2FFFF;
	_ =	strace $0x9FFFFFFF  }
0xc1: {  	(tm) =	ssettm $0x7FFFFFFF  }
tec
execute0_lowered:
.L_overlay_start_1:
0x0: {  	(tag) =	ssettag $0x1  }
0x1: {  	s1 =	srdreg.scid  }
0x2: {  	s0 =	stileid.u32;
	s6 =	sand.u32 $0x1, s1  }
0x3: {  	s8 =	rddreg [dreg:$0x0];
	s30 =	sshll.u32 s0, $0x9;
	s2 =	sshll.u32 s6, $0x8  }
0x4: {  	s7 =	simm.s32 $0x1;
	s1 =	rddreg [dreg:$0x1];
	s9 =	sor.u32 s2, s30  }
0x5: {  	s5 =	sadd.s32 $0x21A00, s8;
	s2 =	simm.s32 $0x0;
	s3 =	sshrl.u32 s9, $0x3  }
0x6: {  	s10 =	ssub.s32 $0x2, s6;
	[smem:$0x7FF] =	sst s2;
	s3 =	sadd.s32 s3, s8  }
0x7: {  	_ =	strace $0x8000004A;
	s4 =	sadd.s32 $0x1A00, s3;
	s3 =	simm.s32 $0x2  }
0x8: {  	[tilespmem:s2], [sflag:$0x2] =	stream.linear.gather [hbm4b:s4+s2], $0x100, $0x38;
	[tilespmem:$0x4100] =	vst v63  }
0x9: {  	s6 =	simm.s32 $0x100;
	s11 =	sshrl.u32 s10, $0x1;
	_ =	swait.ge [sflag:s3], $0x100  }
0xa: {  	s9 =	sshll.u32 s9, $0x3;
	s31 =	ssub.s32 s10, s11;
	[sflag:s3] =	ssyncset.done $0x0  }
0xb: {  	s8 =	sadd.s32 s9, s8;
	s9 =	smax.u32 s31, $0x1;
	[sflag:s3] =	ssyncadd.s32 $0xFFFFFF00  }
0xc: {  	[tilespmem:s6], [sflag:$0x1] =	stream.indirect.gather [hbm4b:s5+s6], $0x40, s2, s6, $0xb8;
	[tilespmem:$0x4100] =	vst v63  }
0xd: {  	p0 =	sne.s32 s9, $0x1;
	_ =	swait.ge [sflag:s7], $0x4000  }
.Ltmp0:
0xe: {  	[sflag:s7] =	ssyncset.done $0x0;
	(pc) =	sbr.rel @!p0 .LBB2_2-.Ltmp0, $4  }
0xf: {  	s8 =	sadd.s32 $0x1E00, s8;
	[sflag:s7] =	ssyncadd.s32 $0xFFFFC000  }
0x10: {  	[hbm4b:s8+s2] =	stream.linear.scatter [tilespmem:s6], [sflag:$0x2], $0x4000, $0x38;
	[tilespmem:$0x4100] =	vst v63  }
0x11: {  	_ =	swait.ge [sflag:s3], $0x4000  }
0x12: {  	s9 =	sadd.s32 $0xFFFFFFFF, s9;
	[sflag:s3] =	ssyncset.done $0x0  }
.LBB2_1:
0x13: {  	p0 =	sne.s32 s9, $0x1;
	s9 =	sadd.s32 $0xFFFFFFFF, s9;
	[sflag:s3] =	ssyncadd.s32 $0xFFFFC000  }
0x14: {  	[tilespmem:s2], [sflag:$0x2] =	stream.linear.gather [hbm4b:s4+s2], $0x100, $0x38;
	[tilespmem:$0x4100] =	vst v63  }
0x15: {  	_ =	swait.ge [sflag:s3], $0x100  }
0x16: {  	[sflag:s3] =	ssyncset.done $0x0  }
0x17: {  	[sflag:s3] =	ssyncadd.s32 $0xFFFFFF00  }
0x18: {  	[tilespmem:s6], [sflag:$0x1] =	stream.indirect.gather [hbm4b:s5+s6], $0x40, s2, s6, $0xb8;
	[tilespmem:$0x4100] =	vst v63  }
0x19: {  	_ =	swait.ge [sflag:s7], $0x4000  }
.Ltmp1:
0x1a: {  	[sflag:s7] =	ssyncset.done $0x0;
	(pc) =	sbr.rel @p0 .LBB2_1-.Ltmp1, $4  }
0x1b: {  	[sflag:s7] =	ssyncadd.s32 $0xFFFFC000  }
0x1c: {  	[hbm4b:s8+s2] =	stream.linear.scatter [tilespmem:s6], [sflag:$0x2], $0x4000, $0x38;
	[tilespmem:$0x4100] =	vst v63  }
0x1d: {  	_ =	swait.ge [sflag:s3], $0x4000  }
0x1e: {  	[sflag:s3] =	ssyncset.done $0x0  }
.LBB2_2:
0x1f: {  	[sflag:s3] =	ssyncadd.s32 $0xFFFFC000  }
0x20: {  	_ =	sfence.sel $0x180000  }
0x21: {  	[bflag:$0x0] =	sbarrier.arrive $0xFFFF  }
0x22: {  	p0 =	sne.s32 s0, $0x0;
	_ =	strace $0x9000004A  }
0x23: {  	s0 =	sadd.s32 @!p0 $0x100000, s1;
	[bflag:$0x2] =	sbarrier.arrive $0xFFFF  }
0x24: {  	[sflag:s0] =	ssyncadd.tile.s32 @!p0 $0x1;
	_ =	shalt  }
.Lfunc_end2:
_tile_overlayer_lowered:
.L_overlay_start_2:
0x25: {  	(tag) =	ssettag $0x2  }
0x26: {  	s0 =	rddreg [dreg:$0x0];
	s2 =	stileid.u32  }
0x27: {  	s1 =	rddreg [dreg:$0x1];
	p0 =	sne.s32 s2, $0x0  }
0x28: {  	s3 =	rddreg [dreg:$0x2];
	[bflag:$0x3] =	sbarrier.arrive $0xFFFF;
	s2 =	simm.s32 @!p0 $0x1C02  }
0x29: {  	[timem:s3], [sflag:s2] =	dma.local @!p0 [hbm:s0], s1  }
0x2a: {  	s0 =	simm.s32 @!p0 $0x2  }
0x2b: {  	_ =	swait.ge @!p0 [sflag:s0], s1  }
0x2c: {  	s1 =	ssub.s32 @!p0 $0x0, s1;
	[sflag:s0] =	ssyncset.done @!p0 $0x0  }
0x2d: {  	[sflag:s0] =	ssyncadd.s32 @!p0 s1  }
0x2e: {  	[bflag:$0x3] =	sbarrier.arrive $0xFFFF  }
0x2f: {  	_ =	shalt  }

</sc_bundles>
